<compile_context>
chip_gen: v7x
topology: tpu7x:2x2x1
jax: 0.10.2.dev20260603
libtpu: 0.0.44.dev20260713+nightly
codegen_flags: <defaults>
</compile_context>

<pallas_src>
import functools

import jax
import jax.numpy as jnp
from jax import lax
from jax.experimental import pallas as pl
from jax.experimental.pallas import tpu as pltpu
from jax.experimental.pallas import tpu_sc as plsc

B = 8192
D = 256
K = 8192

BM = 2048
BK = 2048
NB = B // BM
NK = K // BK


def _argmin_body(z_ref, cb_ref, idx_ref, minv_ref, zsq_ref):
    k = pl.program_id(1)

    @pl.when(k == 0)
    def _():
        minv_ref[...] = jnp.full((1, BM), jnp.inf, jnp.float32)
        idx_ref[...] = jnp.zeros((1, 1, BM), jnp.int32)
        z = z_ref[...]
        zsq_ref[...] = jnp.sum(z * z, axis=1, keepdims=True).reshape(1, BM)

    zs = z_ref[...] * (-2.0)
    cb = cb_ref[...]
    c_sq = jnp.sum(cb * cb, axis=1, keepdims=True)
    scores = (zsq_ref[...] + c_sq) + lax.dot_general(
        cb, zs, (((1,), (1,)), ((), ())), preferred_element_type=jnp.float32)
    val = scores
    idx = lax.broadcasted_iota(jnp.int32, scores.shape, 0)
    h = BK // 2
    while h >= 8:
        keep = val[:h] <= val[h:]
        val = jnp.where(keep, val[:h], val[h:])
        idx = jnp.where(keep, idx[:h], idx[h:])
        h //= 2
    m = jnp.min(val, axis=0, keepdims=True)
    bidx = jnp.min(jnp.where(val == m, idx, BK), axis=0,
                   keepdims=True) + k * BK
    better = m < minv_ref[...]
    minv_ref[...] = jnp.where(better, m, minv_ref[...])
    idx_ref[...] = jnp.where(better[None], bidx[None], idx_ref[...])


def _argmin_call(z, cb, off, nb):
    out = pl.pallas_call(
        _argmin_body,
        grid=(nb, NK),
        in_specs=[pl.BlockSpec((BM, D), lambda i, k, o=off: (i + o, 0)),
                  pl.BlockSpec((BK, D), lambda i, k: (k, 0))],
        out_specs=pl.BlockSpec((1, 1, BM), lambda i, k: (i, 0, 0)),
        out_shape=jax.ShapeDtypeStruct((nb, 1, BM), jnp.int32),
        scratch_shapes=[pltpu.VMEM((1, BM), jnp.float32),
                        pltpu.VMEM((1, BM), jnp.float32)],
        compiler_params=pltpu.CompilerParams(
            dimension_semantics=("arbitrary", "arbitrary")),
    )(z, cb)
    return out.reshape(nb * BM)


SC_NC = 2
SC_NS = 16
NW = SC_NC * SC_NS
CHK = 128

@functools.cache
def _build_gather(rows):
    bpw = rows // NW
    nchk = bpw // CHK
    mesh = plsc.VectorSubcoreMesh(core_axis_name="c", subcore_axis_name="s")

    @functools.partial(
        pl.kernel, mesh=mesh,
        out_type=jax.ShapeDtypeStruct((rows, D), jnp.float32),
        scratch_types=[
            pltpu.VMEM((nchk, CHK), jnp.int32),
            pltpu.VMEM((bpw, D), jnp.float32),
            pltpu.SemaphoreType.DMA,
        ],
    )
    def _gather(idx_hbm, table_hbm, out_hbm, idx_v, rows_v, sem):
        wid = lax.axis_index("s") * SC_NC + lax.axis_index("c")
        base = wid * bpw
        pltpu.sync_copy(idx_hbm.at[pl.ds(wid * nchk, nchk)], idx_v)
        copies = [
            pltpu.async_copy(table_hbm.at[idx_v.at[j]],
                             rows_v.at[pl.ds(j * CHK, CHK)], sem)
            for j in range(nchk)
        ]
        for cp in copies:
            cp.wait()
        pltpu.sync_copy(rows_v, out_hbm.at[pl.ds(base, bpw)])

    return _gather


BC = 2048
NBC = B // BC


def _finish_core(z_ref, n_ref, v_ref, zq_ref, dist_ref):
    z = z_ref[...]
    d = n_ref[...] - z
    d2 = jnp.sum(d * d, axis=1, keepdims=True)
    dist = jnp.sqrt(d2)
    vd = v_ref[...] + d
    vn = jnp.sqrt(jnp.sum(vd * vd, axis=1, keepdims=True)) + 1e-8
    zq_ref[...] = z + vd * (dist / vn)
    dist_ref[...] = dist.reshape(BC)
    return jnp.sum(d2)


def _finish_body(z_ref, n_ref, v_ref, zq_ref, dist_ref, acc_ref):
    i = pl.program_id(0)
    s = _finish_core(z_ref, n_ref, v_ref, zq_ref, dist_ref)
    prev = jnp.where(i == 0, 0.0, acc_ref[0, 0])
    acc_ref[...] = jnp.full((1, 1), prev + s, jnp.float32)


def _finish_body_alias(z_ref, n_ref, v_ref, zqp_ref, dp_ref, acc0_ref,
                       zq_ref, dist_ref, acc_ref):
    del zqp_ref, dp_ref
    i = pl.program_id(0)
    s = _finish_core(z_ref, n_ref, v_ref, zq_ref, dist_ref)
    prev = jnp.where(i == 0, 0.0, acc_ref[0, 0])
    tot = prev + s
    tot = jnp.where(i == pl.num_programs(0) - 1,
                    (tot + acc0_ref[0, 0]) * jnp.float32(1.0 / (B * D)), tot)
    acc_ref[...] = jnp.full((1, 1), tot, jnp.float32)


def _finish_call(z, nearest, v, off, prev=None):
    half_rows = nearest.shape[0]
    zmap = lambda i, o=off: (i + o, 0)
    in_specs = [pl.BlockSpec((BC, D), zmap),
                pl.BlockSpec((BC, D), lambda i: (i, 0)),
                pl.BlockSpec((BC, D), zmap)]
    args = [z, nearest, v]
    aliases = {}
    body = _finish_body
    if prev is not None:
        in_specs += [pl.BlockSpec(memory_space=pl.ANY),
                     pl.BlockSpec(memory_space=pl.ANY),
                     pl.BlockSpec((1, 1), lambda i: (0, 0))]
        args += [prev[0], prev[1], prev[2]]
        aliases = {3: 0, 4: 1}
        body = _finish_body_alias
    return pl.pallas_call(
        body,
        grid=(half_rows // BC,),
        in_specs=in_specs,
        out_specs=[pl.BlockSpec((BC, D), zmap),
                   pl.BlockSpec((BC,), lambda i, o=off: (i + o,)),
                   pl.BlockSpec((1, 1), lambda i: (0, 0))],
        out_shape=[jax.ShapeDtypeStruct((B, D), jnp.float32),
                   jax.ShapeDtypeStruct((B,), jnp.float32),
                   jax.ShapeDtypeStruct((1, 1), jnp.float32)],
        input_output_aliases=aliases,
        compiler_params=pltpu.CompilerParams(
            dimension_semantics=("arbitrary",)),
    )(*args)


HALVES = 2
HR = B // HALVES


def kernel(z, codebook, v):
    idx_h = [_argmin_call(z, codebook, h * (HR // BM), HR // BM)
             for h in range(HALVES)]
    gather = _build_gather(HR)
    near_h = [gather(idx_h[h].reshape(HR // CHK, CHK), codebook)
              for h in range(HALVES)]
    fin0 = _finish_call(z, near_h[0], v, 0)
    z_q, dist, acc1 = _finish_call(z, near_h[1], v, HR // BC, fin0)
    indices = jnp.concatenate(idx_h, axis=0)
    commit_loss = acc1[0, 0]
    return (z_q, indices, dist, commit_loss)

# --- scband reference (transcript-rebuilt; emitter-appended) ---
"""Pipeline reference for scband-di-ve-q-19774029430966 (READ-ONLY COPY).

The authoritative reference and input builder live on the scoring server;
editing this copy changes nothing except your own understanding.
"""

import jax, jax.numpy as jnp
import numpy as np

B = 8192
D = 256
K = 8192
SIGMA = 0.1

def setup_inputs(seed: int = 0) -> dict:
    key = jax.random.key(seed)
    k1, k2, k3 = jax.random.split(key, 3)
    z = jax.random.normal(k1, (B, D), dtype=jnp.float32)
    # learned parameter: codebook, initialized as randn * 0.1 per __init__
    codebook = jax.random.normal(k2, (K, D), dtype=jnp.float32) * 0.1
    # reparameterization noise v ~ N(0, sigma^2 I), materialized for determinism
    v = jax.random.normal(k3, (B, D), dtype=jnp.float32) * SIGMA
    return {"z": z, "codebook": codebook, "v": v}

def reference(z, codebook, v):
    # torch.cdist equivalent: pairwise euclidean distances [B, K]
    z_sq = jnp.sum(z * z, axis=1, keepdims=True)
    c_sq = jnp.sum(codebook * codebook, axis=1)
    d2 = z_sq + c_sq[None, :] - 2.0 * (z @ codebook.T)
    dists = jnp.sqrt(jnp.maximum(d2, 0.0))
    indices = jnp.argmin(dists, axis=-1)
    nearest = jnp.take(codebook, indices, axis=0)
    d = nearest - z
    dist = jnp.linalg.norm(d, axis=-1, keepdims=True)
    # training branch: reparameterized quantization error
    v_d = v + d
    v_d_norm = v_d / (jnp.linalg.norm(v_d, axis=-1, keepdims=True) + 1e-08)
    xi_q = dist * v_d_norm
    z_q = z + xi_q
    commit_loss = jnp.mean((z - jax.lax.stop_gradient(nearest)) ** 2)
    return (z_q, indices, jnp.squeeze(dist, axis=-1), commit_loss)

if __name__ == "__main__":
    import jax
    _d = setup_inputs()
    print(jax.jit(kernel)(*tuple(_d.values())))

</pallas_src>

<mosaic_0001>
#map = affine_map<(d0, d1) -> (0, 0)>
module attributes {stable_mosaic.version = 14 : i64} {
  func.func @_gather(%arg0: i32, %arg1: i32, %arg2: memref<32x128xi32, #tpu.memory_space<hbm>>, %arg3: memref<8192x256xf32, #tpu.memory_space<hbm>>, %arg4: memref<4096x256xf32, #tpu.memory_space<hbm>>, %arg5: memref<1x128xi32, #tpu.memory_space<vmem>>, %arg6: memref<128x256xf32, #tpu.memory_space<vmem>>, %arg7: memref<!tpu.dma_semaphore, #tpu.memory_space<semaphore_mem>>) attributes {dimension_semantics = [#tpu.dimension_semantics<core_parallel>, #tpu.dimension_semantics<subcore_parallel>], iteration_bounds = array<i64: 2, 16>, scalar_prefetch = 0 : i64, scratch_operands = 3 : i64, tpu.core_type = #tpu.core_type<sc_vector_subcore>, window_params = [{transform_indices = #map}, {transform_indices = #map}, {transform_indices = #map}]} {
    %mul3A = arith.constant 2 : i32
    %mul3A_0 = arith.muli %arg1, %mul3A : i32
    %add3A = arith.addi %mul3A_0, %arg0 : i32
    %mul3A_1 = arith.constant 128 : i32
    %mul3A_2 = arith.muli %add3A, %mul3A_1 : i32
    %mul3A_3 = arith.constant 1 : i32
    %mul3A_4 = arith.muli %add3A, %mul3A_3 : i32
    "tpu.region"() ({
      %run_scoped3A = tpu.sem_alloc : memref<!tpu.dma_semaphore, #tpu.memory_space<semaphore_mem>>
      %dma_start3A_23 = arith.constant 0 : i32
      %dma_start3A_24 = tpu.memref_slice %arg2[%mul3A_4, %dma_start3A_23] : memref<32x128xi32, #tpu.memory_space<hbm>> -> memref<1x128xi32, #tpu.memory_space<hbm>>
      %dma_start3A_25 = arith.constant 0 : i32
      %dma_start3A_26 = tpu.memref_slice %arg2[%mul3A_4, %dma_start3A_25] : memref<32x128xi32, #tpu.memory_space<hbm>> -> memref<1x128xi32, #tpu.memory_space<hbm>>
      tpu.enqueue_dma source(%dma_start3A_26 : memref<1x128xi32, #tpu.memory_space<hbm>>) target(%arg5 : memref<1x128xi32, #tpu.memory_space<vmem>>) target_semaphore(%run_scoped3A : memref<!tpu.dma_semaphore, #tpu.memory_space<semaphore_mem>>)
      %dma_wait3A_27 = arith.constant 0 : i32
      %dma_wait3A_28 = tpu.memref_slice %arg2[%mul3A_4, %dma_wait3A_27] : memref<32x128xi32, #tpu.memory_space<hbm>> -> memref<1x128xi32, #tpu.memory_space<hbm>>
      %dma_wait3A_29 = arith.constant 0 : i32
      %dma_wait3A_30 = tpu.memref_slice %arg2[%mul3A_4, %dma_wait3A_29] : memref<32x128xi32, #tpu.memory_space<hbm>> -> memref<1x128xi32, #tpu.memory_space<hbm>>
      tpu.wait_dma2 semaphore(%run_scoped3A : memref<!tpu.dma_semaphore, #tpu.memory_space<semaphore_mem>>) src(%dma_wait3A_30 : memref<1x128xi32, #tpu.memory_space<hbm>>) dst(%arg5 : memref<1x128xi32, #tpu.memory_space<vmem>>)
      tpu.yield
    }) : () -> ()
    %dma_start3A = arith.constant 0 : i32
    %dma_start3A_5 = arith.constant 0 : i32
    %dma_start3A_6 = arith.constant 0 : i32
    %dma_start3A_7 = tpu.memref_slice %arg6[%dma_start3A_5, %dma_start3A_6] : memref<128x256xf32, #tpu.memory_space<vmem>> -> memref<128x256xf32, #tpu.memory_space<vmem>>
    %dma_start3A_8 = arith.constant 0 : i32
    %dma_start3A_9 = tpu.memref_slice %arg5[%dma_start3A, %dma_start3A_8] : memref<1x128xi32, #tpu.memory_space<vmem>> -> memref<1x128xi32, #tpu.memory_space<vmem>>
    %dma_start3A_10 = tpu.memref_squeeze %dma_start3A_9 : memref<1x128xi32, #tpu.memory_space<vmem>> -> memref<128xi32, #tpu.memory_space<vmem>>
    %dma_start3A_11 = arith.constant 0 : i32
    %dma_start3A_12 = arith.constant 0 : i32
    %dma_start3A_13 = tpu.memref_slice %arg3[%dma_start3A_11, %dma_start3A_12] : memref<8192x256xf32, #tpu.memory_space<hbm>> -> memref<8192x256xf32, #tpu.memory_space<hbm>>
    tpu.enqueue_indirect_dma source(%dma_start3A_13 : memref<8192x256xf32, #tpu.memory_space<hbm>>) target(%dma_start3A_7 : memref<128x256xf32, #tpu.memory_space<vmem>>) offsets(%dma_start3A_10 : memref<128xi32, #tpu.memory_space<vmem>>) semaphore(%arg7 : memref<!tpu.dma_semaphore, #tpu.memory_space<semaphore_mem>>)
    %dma_wait3A = arith.constant 0 : i32
    %dma_wait3A_14 = arith.constant 0 : i32
    %dma_wait3A_15 = arith.constant 0 : i32
    %dma_wait3A_16 = tpu.memref_slice %arg6[%dma_wait3A_14, %dma_wait3A_15] : memref<128x256xf32, #tpu.memory_space<vmem>> -> memref<128x256xf32, #tpu.memory_space<vmem>>
    %dma_wait3A_17 = arith.constant 0 : i32
    %dma_wait3A_18 = tpu.memref_slice %arg5[%dma_wait3A, %dma_wait3A_17] : memref<1x128xi32, #tpu.memory_space<vmem>> -> memref<1x128xi32, #tpu.memory_space<vmem>>
    %dma_wait3A_19 = tpu.memref_squeeze %dma_wait3A_18 : memref<1x128xi32, #tpu.memory_space<vmem>> -> memref<128xi32, #tpu.memory_space<vmem>>
    %dma_wait3A_20 = arith.constant 0 : i32
    %dma_wait3A_21 = arith.constant 0 : i32
    %dma_wait3A_22 = tpu.memref_slice %arg3[%dma_wait3A_20, %dma_wait3A_21] : memref<8192x256xf32, #tpu.memory_space<hbm>> -> memref<8192x256xf32, #tpu.memory_space<hbm>>
    tpu.wait_indirect_dma semaphore(%arg7 : memref<!tpu.dma_semaphore, #tpu.memory_space<semaphore_mem>>) src(%dma_wait3A_22 : memref<8192x256xf32, #tpu.memory_space<hbm>>) dst(%dma_wait3A_16 : memref<128x256xf32, #tpu.memory_space<vmem>>)
    "tpu.region"() ({
      %run_scoped3A = tpu.sem_alloc : memref<!tpu.dma_semaphore, #tpu.memory_space<semaphore_mem>>
      %dma_start3A_23 = arith.constant 0 : i32
      %dma_start3A_24 = tpu.memref_slice %arg4[%mul3A_2, %dma_start3A_23] : memref<4096x256xf32, #tpu.memory_space<hbm>> -> memref<128x256xf32, #tpu.memory_space<hbm>>
      %dma_start3A_25 = arith.constant 0 : i32
      %dma_start3A_26 = tpu.memref_slice %arg4[%mul3A_2, %dma_start3A_25] : memref<4096x256xf32, #tpu.memory_space<hbm>> -> memref<128x256xf32, #tpu.memory_space<hbm>>
      tpu.enqueue_dma source(%arg6 : memref<128x256xf32, #tpu.memory_space<vmem>>) target(%dma_start3A_26 : memref<128x256xf32, #tpu.memory_space<hbm>>) target_semaphore(%run_scoped3A : memref<!tpu.dma_semaphore, #tpu.memory_space<semaphore_mem>>)
      %dma_wait3A_27 = arith.constant 0 : i32
      %dma_wait3A_28 = tpu.memref_slice %arg4[%mul3A_2, %dma_wait3A_27] : memref<4096x256xf32, #tpu.memory_space<hbm>> -> memref<128x256xf32, #tpu.memory_space<hbm>>
      %dma_wait3A_29 = arith.constant 0 : i32
      %dma_wait3A_30 = tpu.memref_slice %arg4[%mul3A_2, %dma_wait3A_29] : memref<4096x256xf32, #tpu.memory_space<hbm>> -> memref<128x256xf32, #tpu.memory_space<hbm>>
      tpu.wait_dma2 semaphore(%run_scoped3A : memref<!tpu.dma_semaphore, #tpu.memory_space<semaphore_mem>>) src(%arg6 : memref<128x256xf32, #tpu.memory_space<vmem>>) dst(%dma_wait3A_30 : memref<128x256xf32, #tpu.memory_space<hbm>>)
      tpu.yield
    }) : () -> ()
    return
  }
}

#map = affine_map<(d0, d1) -> (0, 0)>
module attributes {stable_mosaic.version = 14 : i64} {
  func.func @_gather(%arg0: i32, %arg1: i32, %arg2: memref<32x128xi32, #tpu.memory_space<hbm>>, %arg3: memref<8192x256xf32, #tpu.memory_space<hbm>>, %arg4: memref<4096x256xf32, #tpu.memory_space<hbm>>, %arg5: memref<1x128xi32, #tpu.memory_space<vmem>>, %arg6: memref<128x256xf32, #tpu.memory_space<vmem>>, %arg7: memref<!tpu.dma_semaphore, #tpu.memory_space<semaphore_mem>>) attributes {dimension_semantics = [#tpu.dimension_semantics<core_parallel>, #tpu.dimension_semantics<subcore_parallel>], iteration_bounds = array<i64: 2, 16>, scalar_prefetch = 0 : i64, scratch_operands = 3 : i64, tpu.core_type = #tpu.core_type<sc_vector_subcore>, window_params = [{transform_indices = #map}, {transform_indices = #map}, {transform_indices = #map}]} {
    %mul3A = arith.constant 2 : i32
    %mul3A_0 = arith.muli %arg1, %mul3A : i32
    %add3A = arith.addi %mul3A_0, %arg0 : i32
    %mul3A_1 = arith.constant 128 : i32
    %mul3A_2 = arith.muli %add3A, %mul3A_1 : i32
    %mul3A_3 = arith.constant 1 : i32
    %mul3A_4 = arith.muli %add3A, %mul3A_3 : i32
    "tpu.region"() ({
      %run_scoped3A = tpu.sem_alloc : memref<!tpu.dma_semaphore, #tpu.memory_space<semaphore_mem>>
      %dma_start3A_23 = arith.constant 0 : i32
      %dma_start3A_24 = tpu.memref_slice %arg2[%mul3A_4, %dma_start3A_23] : memref<32x128xi32, #tpu.memory_space<hbm>> -> memref<1x128xi32, #tpu.memory_space<hbm>>
      %dma_start3A_25 = arith.constant 0 : i32
      %dma_start3A_26 = tpu.memref_slice %arg2[%mul3A_4, %dma_start3A_25] : memref<32x128xi32, #tpu.memory_space<hbm>> -> memref<1x128xi32, #tpu.memory_space<hbm>>
      tpu.enqueue_dma source(%dma_start3A_26 : memref<1x128xi32, #tpu.memory_space<hbm>>) target(%arg5 : memref<1x128xi32, #tpu.memory_space<vmem>>) target_semaphore(%run_scoped3A : memref<!tpu.dma_semaphore, #tpu.memory_space<semaphore_mem>>)
      %dma_wait3A_27 = arith.constant 0 : i32
      %dma_wait3A_28 = tpu.memref_slice %arg2[%mul3A_4, %dma_wait3A_27] : memref<32x128xi32, #tpu.memory_space<hbm>> -> memref<1x128xi32, #tpu.memory_space<hbm>>
      %dma_wait3A_29 = arith.constant 0 : i32
      %dma_wait3A_30 = tpu.memref_slice %arg2[%mul3A_4, %dma_wait3A_29] : memref<32x128xi32, #tpu.memory_space<hbm>> -> memref<1x128xi32, #tpu.memory_space<hbm>>
      tpu.wait_dma2 semaphore(%run_scoped3A : memref<!tpu.dma_semaphore, #tpu.memory_space<semaphore_mem>>) src(%dma_wait3A_30 : memref<1x128xi32, #tpu.memory_space<hbm>>) dst(%arg5 : memref<1x128xi32, #tpu.memory_space<vmem>>)
      tpu.yield
    }) : () -> ()
    %dma_start3A = arith.constant 0 : i32
    %dma_start3A_5 = arith.constant 0 : i32
    %dma_start3A_6 = arith.constant 0 : i32
    %dma_start3A_7 = tpu.memref_slice %arg6[%dma_start3A_5, %dma_start3A_6] : memref<128x256xf32, #tpu.memory_space<vmem>> -> memref<128x256xf32, #tpu.memory_space<vmem>>
    %dma_start3A_8 = arith.constant 0 : i32
    %dma_start3A_9 = tpu.memref_slice %arg5[%dma_start3A, %dma_start3A_8] : memref<1x128xi32, #tpu.memory_space<vmem>> -> memref<1x128xi32, #tpu.memory_space<vmem>>
    %dma_start3A_10 = tpu.memref_squeeze %dma_start3A_9 : memref<1x128xi32, #tpu.memory_space<vmem>> -> memref<128xi32, #tpu.memory_space<vmem>>
    %dma_start3A_11 = arith.constant 0 : i32
    %dma_start3A_12 = arith.constant 0 : i32
    %dma_start3A_13 = tpu.memref_slice %arg3[%dma_start3A_11, %dma_start3A_12] : memref<8192x256xf32, #tpu.memory_space<hbm>> -> memref<8192x256xf32, #tpu.memory_space<hbm>>
    tpu.enqueue_indirect_dma source(%dma_start3A_13 : memref<8192x256xf32, #tpu.memory_space<hbm>>) target(%dma_start3A_7 : memref<128x256xf32, #tpu.memory_space<vmem>>) offsets(%dma_start3A_10 : memref<128xi32, #tpu.memory_space<vmem>>) semaphore(%arg7 : memref<!tpu.dma_semaphore, #tpu.memory_space<semaphore_mem>>)
    %dma_wait3A = arith.constant 0 : i32
    %dma_wait3A_14 = arith.constant 0 : i32
    %dma_wait3A_15 = arith.constant 0 : i32
    %dma_wait3A_16 = tpu.memref_slice %arg6[%dma_wait3A_14, %dma_wait3A_15] : memref<128x256xf32, #tpu.memory_space<vmem>> -> memref<128x256xf32, #tpu.memory_space<vmem>>
    %dma_wait3A_17 = arith.constant 0 : i32
    %dma_wait3A_18 = tpu.memref_slice %arg5[%dma_wait3A, %dma_wait3A_17] : memref<1x128xi32, #tpu.memory_space<vmem>> -> memref<1x128xi32, #tpu.memory_space<vmem>>
    %dma_wait3A_19 = tpu.memref_squeeze %dma_wait3A_18 : memref<1x128xi32, #tpu.memory_space<vmem>> -> memref<128xi32, #tpu.memory_space<vmem>>
    %dma_wait3A_20 = arith.constant 0 : i32
    %dma_wait3A_21 = arith.constant 0 : i32
    %dma_wait3A_22 = tpu.memref_slice %arg3[%dma_wait3A_20, %dma_wait3A_21] : memref<8192x256xf32, #tpu.memory_space<hbm>> -> memref<8192x256xf32, #tpu.memory_space<hbm>>
    tpu.wait_indirect_dma semaphore(%arg7 : memref<!tpu.dma_semaphore, #tpu.memory_space<semaphore_mem>>) src(%dma_wait3A_22 : memref<8192x256xf32, #tpu.memory_space<hbm>>) dst(%dma_wait3A_16 : memref<128x256xf32, #tpu.memory_space<vmem>>)
    "tpu.region"() ({
      %run_scoped3A = tpu.sem_alloc : memref<!tpu.dma_semaphore, #tpu.memory_space<semaphore_mem>>
      %dma_start3A_23 = arith.constant 0 : i32
      %dma_start3A_24 = tpu.memref_slice %arg4[%mul3A_2, %dma_start3A_23] : memref<4096x256xf32, #tpu.memory_space<hbm>> -> memref<128x256xf32, #tpu.memory_space<hbm>>
      %dma_start3A_25 = arith.constant 0 : i32
      %dma_start3A_26 = tpu.memref_slice %arg4[%mul3A_2, %dma_start3A_25] : memref<4096x256xf32, #tpu.memory_space<hbm>> -> memref<128x256xf32, #tpu.memory_space<hbm>>
      tpu.enqueue_dma source(%arg6 : memref<128x256xf32, #tpu.memory_space<vmem>>) target(%dma_start3A_26 : memref<128x256xf32, #tpu.memory_space<hbm>>) target_semaphore(%run_scoped3A : memref<!tpu.dma_semaphore, #tpu.memory_space<semaphore_mem>>)
      %dma_wait3A_27 = arith.constant 0 : i32
      %dma_wait3A_28 = tpu.memref_slice %arg4[%mul3A_2, %dma_wait3A_27] : memref<4096x256xf32, #tpu.memory_space<hbm>> -> memref<128x256xf32, #tpu.memory_space<hbm>>
      %dma_wait3A_29 = arith.constant 0 : i32
      %dma_wait3A_30 = tpu.memref_slice %arg4[%mul3A_2, %dma_wait3A_29] : memref<4096x256xf32, #tpu.memory_space<hbm>> -> memref<128x256xf32, #tpu.memory_space<hbm>>
      tpu.wait_dma2 semaphore(%run_scoped3A : memref<!tpu.dma_semaphore, #tpu.memory_space<semaphore_mem>>) src(%arg6 : memref<128x256xf32, #tpu.memory_space<vmem>>) dst(%dma_wait3A_30 : memref<128x256xf32, #tpu.memory_space<hbm>>)
      tpu.yield
    }) : () -> ()
    return
  }
}

module attributes {stable_mosaic.version = 14 : i64} {
  func.func @_finish_body(%arg0: i32, %arg1: memref<2048x256xf32, #tpu.memory_space<vmem>>, %arg2: memref<2048x256xf32, #tpu.memory_space<vmem>>, %arg3: memref<2048x256xf32, #tpu.memory_space<vmem>>, %arg4: memref<2048x256xf32, #tpu.memory_space<vmem>>, %arg5: memref<2048xf32, #tpu.memory_space<vmem>>, %arg6: memref<1x1xf32, #tpu.memory_space<vmem>>) attributes {dimension_semantics = [#tpu.dimension_semantics<arbitrary>], iteration_bounds = array<i64: 2>, scalar_prefetch = 0 : i64, scratch_operands = 0 : i64, tpu.core_type = #tpu.core_type<tc>, window_params = [{transform_indices = @transform_0, window_bounds = array<i64: 2048, 256>}, {transform_indices = @transform_1, window_bounds = array<i64: 2048, 256>}, {transform_indices = @transform_2, window_bounds = array<i64: 2048, 256>}, {transform_indices = @transform_3, window_bounds = array<i64: 2048, 256>}, {transform_indices = @transform_4, window_bounds = array<i64: 2048>}, {pipeline_mode = #tpu.pipeline_mode<synchronous>, transform_indices = @transform_5, window_bounds = array<i64: 1, 1>}]} {
    %get3A = arith.constant 0 : index
    %get3A_0 = arith.constant 0 : index
    %get3A_1 = vector.load %arg1[%get3A, %get3A_0] : memref<2048x256xf32, #tpu.memory_space<vmem>>, vector<2048x256xf32>
    %get3A_2 = arith.constant 0 : index
    %get3A_3 = arith.constant 0 : index
    %get3A_4 = vector.load %arg2[%get3A_2, %get3A_3] : memref<2048x256xf32, #tpu.memory_space<vmem>>, vector<2048x256xf32>
    %sub3A = arith.subf %get3A_4, %get3A_1 : vector<2048x256xf32>
    %mul3A = arith.mulf %sub3A, %sub3A : vector<2048x256xf32>
    %reduce_sum3A = arith.constant dense<0.000000e+00> : vector<2048xf32>
    %reduce_sum3A_5 = vector.multi_reduction <add>, %mul3A, %reduce_sum3A [1] : vector<2048x256xf32> to vector<2048xf32>
    %broadcast_in_dim3A = vector.shape_cast %reduce_sum3A_5 : vector<2048xf32> to vector<2048x1xf32>
    %sqrt3A = math.sqrt %broadcast_in_dim3A : vector<2048x1xf32>
    %get3A_6 = arith.constant 0 : index
    %get3A_7 = arith.constant 0 : index
    %get3A_8 = vector.load %arg3[%get3A_6, %get3A_7] : memref<2048x256xf32, #tpu.memory_space<vmem>>, vector<2048x256xf32>
    %add3A = arith.addf %get3A_8, %sub3A : vector<2048x256xf32>
    %mul3A_9 = arith.mulf %add3A, %add3A : vector<2048x256xf32>
    %reduce_sum3A_10 = arith.constant dense<0.000000e+00> : vector<2048xf32>
    %reduce_sum3A_11 = vector.multi_reduction <add>, %mul3A_9, %reduce_sum3A_10 [1] : vector<2048x256xf32> to vector<2048xf32>
    %broadcast_in_dim3A_12 = vector.shape_cast %reduce_sum3A_11 : vector<2048xf32> to vector<2048x1xf32>
    %sqrt3A_13 = math.sqrt %broadcast_in_dim3A_12 : vector<2048x1xf32>
    %add3A_14 = arith.constant 9.99999993E-9 : f32
    %add3A_15 = vector.broadcast %add3A_14 : f32 to vector<2048x1xf32>
    %add3A_16 = arith.addf %sqrt3A_13, %add3A_15 : vector<2048x1xf32>
    %div3A = arith.divf %sqrt3A, %add3A_16 : vector<2048x1xf32>
    %mul3A_17 = vector.broadcast %div3A : vector<2048x1xf32> to vector<2048x256xf32>
    %mul3A_18 = arith.mulf %add3A, %mul3A_17 : vector<2048x256xf32>
    %add3A_19 = arith.addf %get3A_1, %mul3A_18 : vector<2048x256xf32>
    %swap3A = arith.constant 0 : index
    %swap3A_20 = arith.constant 0 : index
    %swap3A_21 = vector.load %arg4[%swap3A, %swap3A_20] : memref<2048x256xf32, #tpu.memory_space<vmem>>, vector<2048x256xf32>
    tpu.vector_store %arg4[%swap3A, %swap3A_20], %add3A_19 {strides = array<i32>} : memref<2048x256xf32, #tpu.memory_space<vmem>>, vector<2048x256xf32>,
    %reshape3A = vector.shape_cast %sqrt3A : vector<2048x1xf32> to vector<2048xf32>
    %swap3A_22 = arith.constant 0 : index
    %swap3A_23 = vector.load %arg5[%swap3A_22] : memref<2048xf32, #tpu.memory_space<vmem>>, vector<2048xf32>
    tpu.vector_store %arg5[%swap3A_22], %reshape3A {strides = array<i32>} : memref<2048xf32, #tpu.memory_space<vmem>>, vector<2048xf32>,
    %reduce_sum3A_24 = vector.shape_cast %broadcast_in_dim3A : vector<2048x1xf32> to vector<1x2048x1xf32>
    %reduce_sum3A_25 = arith.constant dense<0.000000e+00> : vector<1xf32>
    %reduce_sum3A_26 = vector.multi_reduction <add>, %reduce_sum3A_24, %reduce_sum3A_25 [1, 2] : vector<1x2048x1xf32> to vector<1xf32>
    %reduce_sum3A_27 = vector.shape_cast %reduce_sum3A_26 : vector<1xf32> to vector<1x1x1xf32>
    %reduce_sum3A_28 = vector.extract %reduce_sum3A_27[0, 0, 0] : f32 from vector<1x1x1xf32>
    %eq3A = arith.constant 0 : i32
    %eq3A_29 = arith.cmpi eq, %arg0, %eq3A : i32
    %get3A_30 = arith.constant 0 : index
    %get3A_31 = arith.constant 0 : index
    %get3A_32 = vector.load %arg6[%get3A_30, %get3A_31] : memref<1x1xf32, #tpu.memory_space<vmem>>, vector<1x1xf32>
    %get3A_33 = vector.extract %get3A_32[0, 0] : f32 from vector<1x1xf32>
    %jit3A = arith.constant 0.000000e+00 : f32
    %select_n3A = arith.select %eq3A_29, %jit3A, %get3A_33 : f32
    %add3A_34 = arith.addf %select_n3A, %reduce_sum3A_28 : f32
    %broadcast_in_dim3A_35 = vector.broadcast %add3A_34 : f32 to vector<1x1xf32>
    %swap3A_36 = arith.constant 0 : index
    %swap3A_37 = arith.constant 0 : index
    %swap3A_38 = vector.load %arg6[%swap3A_36, %swap3A_37] : memref<1x1xf32, #tpu.memory_space<vmem>>, vector<1x1xf32>
    tpu.vector_store %arg6[%swap3A_36, %swap3A_37], %broadcast_in_dim3A_35 {strides = array<i32>} : memref<1x1xf32, #tpu.memory_space<vmem>>, vector<1x1xf32>,
    return
  }
  func.func @transform_0(%arg0: i32) -> (i32, i32) {
    %add3A = arith.constant 0 : i32
    %add3A_0 = arith.addi %arg0, %add3A : i32
    %c0_i32 = arith.constant 0 : i32
    %c0_i32_1 = arith.constant 0 : i32
    return %add3A_0, %c0_i32 : i32, i32
  }
  func.func @transform_1(%arg0: i32) -> (i32, i32) {
    %c0_i32 = arith.constant 0 : i32
    %c0_i32_0 = arith.constant 0 : i32
    return %arg0, %c0_i32 : i32, i32
  }
  func.func @transform_2(%arg0: i32) -> (i32, i32) {
    %add3A = arith.constant 0 : i32
    %add3A_0 = arith.addi %arg0, %add3A : i32
    %c0_i32 = arith.constant 0 : i32
    %c0_i32_1 = arith.constant 0 : i32
    return %add3A_0, %c0_i32 : i32, i32
  }
  func.func @transform_3(%arg0: i32) -> (i32, i32) {
    %add3A = arith.constant 0 : i32
    %add3A_0 = arith.addi %arg0, %add3A : i32
    %c0_i32 = arith.constant 0 : i32
    %c0_i32_1 = arith.constant 0 : i32
    return %add3A_0, %c0_i32 : i32, i32
  }
  func.func @transform_4(%arg0: i32) -> i32 {
    %add3A = arith.constant 0 : i32
    %add3A_0 = arith.addi %arg0, %add3A : i32
    %c0_i32 = arith.constant 0 : i32
    return %add3A_0 : i32
  }
  func.func @transform_5(%arg0: i32) -> (i32, i32) {
    %c0_i32 = arith.constant 0 : i32
    %c0_i32_0 = arith.constant 0 : i32
    %c0_i32_1 = arith.constant 0 : i32
    return %c0_i32, %c0_i32_0 : i32, i32
  }
}

module attributes {stable_mosaic.version = 14 : i64} {
  func.func @_argmin_body(%arg0: i32, %arg1: i32, %arg2: memref<2048x256xf32, #tpu.memory_space<vmem>>, %arg3: memref<2048x256xf32, #tpu.memory_space<vmem>>, %arg4: memref<1x1x2048xi32, #tpu.memory_space<vmem>>, %arg5: memref<1x2048xf32, #tpu.memory_space<vmem>>, %arg6: memref<1x2048xf32, #tpu.memory_space<vmem>>) attributes {dimension_semantics = [#tpu.dimension_semantics<arbitrary>, #tpu.dimension_semantics<arbitrary>], iteration_bounds = array<i64: 2, 4>, scalar_prefetch = 0 : i64, scratch_operands = 2 : i64, tpu.core_type = #tpu.core_type<tc>, window_params = [{transform_indices = @transform_0, window_bounds = array<i64: 2048, 256>}, {transform_indices = @transform_1, window_bounds = array<i64: 2048, 256>}, {transform_indices = @transform_2, window_bounds = array<i64: 1, 1, 2048>}]} {
    %eq3A = arith.constant 0 : i32
    %eq3A_0 = arith.cmpi eq, %arg1, %eq3A : i32
    %convert_element_type3A = arith.extui %eq3A_0 : i1 to i32
    %cond3A = arith.constant 0 : i32
    %cond3A_1 = arith.cmpi ne, %convert_element_type3A, %cond3A : i32
    scf.if %cond3A_1 {
      %broadcast_in_dim3A_120 = arith.constant 0x7F800000 : f32
      %broadcast_in_dim3A_121 = vector.broadcast %broadcast_in_dim3A_120 : f32 to vector<1x2048xf32>
      %swap3A_122 = arith.constant 0 : index
      %swap3A_123 = arith.constant 0 : index
      %swap3A_124 = vector.load %arg5[%swap3A_122, %swap3A_123] : memref<1x2048xf32, #tpu.memory_space<vmem>>, vector<1x2048xf32>
      tpu.vector_store %arg5[%swap3A_122, %swap3A_123], %broadcast_in_dim3A_121 {strides = array<i32>} : memref<1x2048xf32, #tpu.memory_space<vmem>>, vector<1x2048xf32>,
      %broadcast_in_dim3A_125 = arith.constant 0 : i32
      %broadcast_in_dim3A_126 = vector.broadcast %broadcast_in_dim3A_125 : i32 to vector<1x1x2048xi32>
      %swap3A_127 = arith.constant 0 : index
      %swap3A_128 = arith.constant 0 : index
      %swap3A_129 = arith.constant 0 : index
      %swap3A_130 = vector.load %arg4[%swap3A_127, %swap3A_128, %swap3A_129] : memref<1x1x2048xi32, #tpu.memory_space<vmem>>, vector<1x1x2048xi32>
      tpu.vector_store %arg4[%swap3A_127, %swap3A_128, %swap3A_129], %broadcast_in_dim3A_126 {strides = array<i32>} : memref<1x1x2048xi32, #tpu.memory_space<vmem>>, vector<1x1x2048xi32>,
      %get3A_131 = arith.constant 0 : index
      %get3A_132 = arith.constant 0 : index
      %get3A_133 = vector.load %arg2[%get3A_131, %get3A_132] : memref<2048x256xf32, #tpu.memory_space<vmem>>, vector<2048x256xf32>
      %mul3A_134 = arith.mulf %get3A_133, %get3A_133 : vector<2048x256xf32>
      %reduce_sum3A_135 = arith.constant dense<0.000000e+00> : vector<2048xf32>
      %reduce_sum3A_136 = vector.multi_reduction <add>, %mul3A_134, %reduce_sum3A_135 [1] : vector<2048x256xf32> to vector<2048xf32>
      %broadcast_in_dim3A_137 = vector.shape_cast %reduce_sum3A_136 : vector<2048xf32> to vector<2048x1xf32>
      %reshape3A = vector.shape_cast %broadcast_in_dim3A_137 : vector<2048x1xf32> to vector<1x2048xf32>
      %swap3A_138 = arith.constant 0 : index
      %swap3A_139 = arith.constant 0 : index
      %swap3A_140 = vector.load %arg6[%swap3A_138, %swap3A_139] : memref<1x2048xf32, #tpu.memory_space<vmem>>, vector<1x2048xf32>
      tpu.vector_store %arg6[%swap3A_138, %swap3A_139], %reshape3A {strides = array<i32>} : memref<1x2048xf32, #tpu.memory_space<vmem>>, vector<1x2048xf32>,
    } else {
    }
    %get3A = arith.constant 0 : index
    %get3A_2 = arith.constant 0 : index
    %get3A_3 = vector.load %arg2[%get3A, %get3A_2] : memref<2048x256xf32, #tpu.memory_space<vmem>>, vector<2048x256xf32>
    %mul3A = arith.constant -2.000000e+00 : f32
    %mul3A_4 = vector.broadcast %mul3A : f32 to vector<2048x256xf32>
    %mul3A_5 = arith.mulf %get3A_3, %mul3A_4 : vector<2048x256xf32>
    %get3A_6 = arith.constant 0 : index
    %get3A_7 = arith.constant 0 : index
    %get3A_8 = vector.load %arg3[%get3A_6, %get3A_7] : memref<2048x256xf32, #tpu.memory_space<vmem>>, vector<2048x256xf32>
    %mul3A_9 = arith.mulf %get3A_8, %get3A_8 : vector<2048x256xf32>
    %reduce_sum3A = arith.constant dense<0.000000e+00> : vector<2048xf32>
    %reduce_sum3A_10 = vector.multi_reduction <add>, %mul3A_9, %reduce_sum3A [1] : vector<2048x256xf32> to vector<2048xf32>
    %broadcast_in_dim3A = vector.shape_cast %reduce_sum3A_10 : vector<2048xf32> to vector<2048x1xf32>
    %get3A_11 = arith.constant 0 : index
    %get3A_12 = arith.constant 0 : index
    %get3A_13 = vector.load %arg6[%get3A_11, %get3A_12] : memref<1x2048xf32, #tpu.memory_space<vmem>>, vector<1x2048xf32>
    %add3A = vector.broadcast %get3A_13 : vector<1x2048xf32> to vector<2048x2048xf32>
    %add3A_14 = vector.broadcast %broadcast_in_dim3A : vector<2048x1xf32> to vector<2048x2048xf32>
    %add3A_15 = arith.addf %add3A, %add3A_14 : vector<2048x2048xf32>
    %dot_general3A = arith.constant dense<0.000000e+00> : vector<2048x2048xf32>
    %dot_general3A_16 = tpu.matmul %get3A_8, %mul3A_5, %dot_general3A {dimension_numbers = #tpu.dot_dimension_numbers<[1], [1], [0], [0], [0, 0, 1, 0], [], []>, transpose_lhs_hint = false} : vector<2048x256xf32>, vector<2048x256xf32>, vector<2048x2048xf32> -> vector<2048x2048xf32>
    %add3A_17 = arith.addf %add3A_15, %dot_general3A_16 : vector<2048x2048xf32>
    %iota3A = tpu.iota {dimensions = array<i32: 0>} : vector<2048x2048xi32>
    %slice3A = vector.extract_strided_slice %add3A_17 {offsets = [0, 0], sizes = [1024, 2048], strides = [1, 1]} : vector<2048x2048xf32> to vector<1024x2048xf32>
    %slice3A_18 = vector.extract_strided_slice %add3A_17 {offsets = [1024, 0], sizes = [1024, 2048], strides = [1, 1]} : vector<2048x2048xf32> to vector<1024x2048xf32>
    %le3A = arith.cmpf ole, %slice3A, %slice3A_18 : vector<1024x2048xf32>
    %slice3A_19 = vector.extract_strided_slice %add3A_17 {offsets = [0, 0], sizes = [1024, 2048], strides = [1, 1]} : vector<2048x2048xf32> to vector<1024x2048xf32>
    %slice3A_20 = vector.extract_strided_slice %add3A_17 {offsets = [1024, 0], sizes = [1024, 2048], strides = [1, 1]} : vector<2048x2048xf32> to vector<1024x2048xf32>
    %select_n3A = arith.select %le3A, %slice3A_19, %slice3A_20 : vector<1024x2048xi1>, vector<1024x2048xf32>
    %slice3A_21 = vector.extract_strided_slice %iota3A {offsets = [0, 0], sizes = [1024, 2048], strides = [1, 1]} : vector<2048x2048xi32> to vector<1024x2048xi32>
    %slice3A_22 = vector.extract_strided_slice %iota3A {offsets = [1024, 0], sizes = [1024, 2048], strides = [1, 1]} : vector<2048x2048xi32> to vector<1024x2048xi32>
    %select_n3A_23 = arith.select %le3A, %slice3A_21, %slice3A_22 : vector<1024x2048xi1>, vector<1024x2048xi32>
    %slice3A_24 = vector.extract_strided_slice %select_n3A {offsets = [0, 0], sizes = [512, 2048], strides = [1, 1]} : vector<1024x2048xf32> to vector<512x2048xf32>
    %slice3A_25 = vector.extract_strided_slice %select_n3A {offsets = [512, 0], sizes = [512, 2048], strides = [1, 1]} : vector<1024x2048xf32> to vector<512x2048xf32>
    %le3A_26 = arith.cmpf ole, %slice3A_24, %slice3A_25 : vector<512x2048xf32>
    %slice3A_27 = vector.extract_strided_slice %select_n3A {offsets = [0, 0], sizes = [512, 2048], strides = [1, 1]} : vector<1024x2048xf32> to vector<512x2048xf32>
    %slice3A_28 = vector.extract_strided_slice %select_n3A {offsets = [512, 0], sizes = [512, 2048], strides = [1, 1]} : vector<1024x2048xf32> to vector<512x2048xf32>
    %select_n3A_29 = arith.select %le3A_26, %slice3A_27, %slice3A_28 : vector<512x2048xi1>, vector<512x2048xf32>
    %slice3A_30 = vector.extract_strided_slice %select_n3A_23 {offsets = [0, 0], sizes = [512, 2048], strides = [1, 1]} : vector<1024x2048xi32> to vector<512x2048xi32>
    %slice3A_31 = vector.extract_strided_slice %select_n3A_23 {offsets = [512, 0], sizes = [512, 2048], strides = [1, 1]} : vector<1024x2048xi32> to vector<512x2048xi32>
    %select_n3A_32 = arith.select %le3A_26, %slice3A_30, %slice3A_31 : vector<512x2048xi1>, vector<512x2048xi32>
    %slice3A_33 = vector.extract_strided_slice %select_n3A_29 {offsets = [0, 0], sizes = [256, 2048], strides = [1, 1]} : vector<512x2048xf32> to vector<256x2048xf32>
    %slice3A_34 = vector.extract_strided_slice %select_n3A_29 {offsets = [256, 0], sizes = [256, 2048], strides = [1, 1]} : vector<512x2048xf32> to vector<256x2048xf32>
    %le3A_35 = arith.cmpf ole, %slice3A_33, %slice3A_34 : vector<256x2048xf32>
    %slice3A_36 = vector.extract_strided_slice %select_n3A_29 {offsets = [0, 0], sizes = [256, 2048], strides = [1, 1]} : vector<512x2048xf32> to vector<256x2048xf32>
    %slice3A_37 = vector.extract_strided_slice %select_n3A_29 {offsets = [256, 0], sizes = [256, 2048], strides = [1, 1]} : vector<512x2048xf32> to vector<256x2048xf32>
    %select_n3A_38 = arith.select %le3A_35, %slice3A_36, %slice3A_37 : vector<256x2048xi1>, vector<256x2048xf32>
    %slice3A_39 = vector.extract_strided_slice %select_n3A_32 {offsets = [0, 0], sizes = [256, 2048], strides = [1, 1]} : vector<512x2048xi32> to vector<256x2048xi32>
    %slice3A_40 = vector.extract_strided_slice %select_n3A_32 {offsets = [256, 0], sizes = [256, 2048], strides = [1, 1]} : vector<512x2048xi32> to vector<256x2048xi32>
    %select_n3A_41 = arith.select %le3A_35, %slice3A_39, %slice3A_40 : vector<256x2048xi1>, vector<256x2048xi32>
    %slice3A_42 = vector.extract_strided_slice %select_n3A_38 {offsets = [0, 0], sizes = [128, 2048], strides = [1, 1]} : vector<256x2048xf32> to vector<128x2048xf32>
    %slice3A_43 = vector.extract_strided_slice %select_n3A_38 {offsets = [128, 0], sizes = [128, 2048], strides = [1, 1]} : vector<256x2048xf32> to vector<128x2048xf32>
    %le3A_44 = arith.cmpf ole, %slice3A_42, %slice3A_43 : vector<128x2048xf32>
    %slice3A_45 = vector.extract_strided_slice %select_n3A_38 {offsets = [0, 0], sizes = [128, 2048], strides = [1, 1]} : vector<256x2048xf32> to vector<128x2048xf32>
    %slice3A_46 = vector.extract_strided_slice %select_n3A_38 {offsets = [128, 0], sizes = [128, 2048], strides = [1, 1]} : vector<256x2048xf32> to vector<128x2048xf32>
    %select_n3A_47 = arith.select %le3A_44, %slice3A_45, %slice3A_46 : vector<128x2048xi1>, vector<128x2048xf32>
    %slice3A_48 = vector.extract_strided_slice %select_n3A_41 {offsets = [0, 0], sizes = [128, 2048], strides = [1, 1]} : vector<256x2048xi32> to vector<128x2048xi32>
    %slice3A_49 = vector.extract_strided_slice %select_n3A_41 {offsets = [128, 0], sizes = [128, 2048], strides = [1, 1]} : vector<256x2048xi32> to vector<128x2048xi32>
    %select_n3A_50 = arith.select %le3A_44, %slice3A_48, %slice3A_49 : vector<128x2048xi1>, vector<128x2048xi32>
    %slice3A_51 = vector.extract_strided_slice %select_n3A_47 {offsets = [0, 0], sizes = [64, 2048], strides = [1, 1]} : vector<128x2048xf32> to vector<64x2048xf32>
    %slice3A_52 = vector.extract_strided_slice %select_n3A_47 {offsets = [64, 0], sizes = [64, 2048], strides = [1, 1]} : vector<128x2048xf32> to vector<64x2048xf32>
    %le3A_53 = arith.cmpf ole, %slice3A_51, %slice3A_52 : vector<64x2048xf32>
    %slice3A_54 = vector.extract_strided_slice %select_n3A_47 {offsets = [0, 0], sizes = [64, 2048], strides = [1, 1]} : vector<128x2048xf32> to vector<64x2048xf32>
    %slice3A_55 = vector.extract_strided_slice %select_n3A_47 {offsets = [64, 0], sizes = [64, 2048], strides = [1, 1]} : vector<128x2048xf32> to vector<64x2048xf32>
    %select_n3A_56 = arith.select %le3A_53, %slice3A_54, %slice3A_55 : vector<64x2048xi1>, vector<64x2048xf32>
    %slice3A_57 = vector.extract_strided_slice %select_n3A_50 {offsets = [0, 0], sizes = [64, 2048], strides = [1, 1]} : vector<128x2048xi32> to vector<64x2048xi32>
    %slice3A_58 = vector.extract_strided_slice %select_n3A_50 {offsets = [64, 0], sizes = [64, 2048], strides = [1, 1]} : vector<128x2048xi32> to vector<64x2048xi32>
    %select_n3A_59 = arith.select %le3A_53, %slice3A_57, %slice3A_58 : vector<64x2048xi1>, vector<64x2048xi32>
    %slice3A_60 = vector.extract_strided_slice %select_n3A_56 {offsets = [0, 0], sizes = [32, 2048], strides = [1, 1]} : vector<64x2048xf32> to vector<32x2048xf32>
    %slice3A_61 = vector.extract_strided_slice %select_n3A_56 {offsets = [32, 0], sizes = [32, 2048], strides = [1, 1]} : vector<64x2048xf32> to vector<32x2048xf32>
    %le3A_62 = arith.cmpf ole, %slice3A_60, %slice3A_61 : vector<32x2048xf32>
    %slice3A_63 = vector.extract_strided_slice %select_n3A_56 {offsets = [0, 0], sizes = [32, 2048], strides = [1, 1]} : vector<64x2048xf32> to vector<32x2048xf32>
    %slice3A_64 = vector.extract_strided_slice %select_n3A_56 {offsets = [32, 0], sizes = [32, 2048], strides = [1, 1]} : vector<64x2048xf32> to vector<32x2048xf32>
    %select_n3A_65 = arith.select %le3A_62, %slice3A_63, %slice3A_64 : vector<32x2048xi1>, vector<32x2048xf32>
    %slice3A_66 = vector.extract_strided_slice %select_n3A_59 {offsets = [0, 0], sizes = [32, 2048], strides = [1, 1]} : vector<64x2048xi32> to vector<32x2048xi32>
    %slice3A_67 = vector.extract_strided_slice %select_n3A_59 {offsets = [32, 0], sizes = [32, 2048], strides = [1, 1]} : vector<64x2048xi32> to vector<32x2048xi32>
    %select_n3A_68 = arith.select %le3A_62, %slice3A_66, %slice3A_67 : vector<32x2048xi1>, vector<32x2048xi32>
    %slice3A_69 = vector.extract_strided_slice %select_n3A_65 {offsets = [0, 0], sizes = [16, 2048], strides = [1, 1]} : vector<32x2048xf32> to vector<16x2048xf32>
    %slice3A_70 = vector.extract_strided_slice %select_n3A_65 {offsets = [16, 0], sizes = [16, 2048], strides = [1, 1]} : vector<32x2048xf32> to vector<16x2048xf32>
    %le3A_71 = arith.cmpf ole, %slice3A_69, %slice3A_70 : vector<16x2048xf32>
    %slice3A_72 = vector.extract_strided_slice %select_n3A_65 {offsets = [0, 0], sizes = [16, 2048], strides = [1, 1]} : vector<32x2048xf32> to vector<16x2048xf32>
    %slice3A_73 = vector.extract_strided_slice %select_n3A_65 {offsets = [16, 0], sizes = [16, 2048], strides = [1, 1]} : vector<32x2048xf32> to vector<16x2048xf32>
    %select_n3A_74 = arith.select %le3A_71, %slice3A_72, %slice3A_73 : vector<16x2048xi1>, vector<16x2048xf32>
    %slice3A_75 = vector.extract_strided_slice %select_n3A_68 {offsets = [0, 0], sizes = [16, 2048], strides = [1, 1]} : vector<32x2048xi32> to vector<16x2048xi32>
    %slice3A_76 = vector.extract_strided_slice %select_n3A_68 {offsets = [16, 0], sizes = [16, 2048], strides = [1, 1]} : vector<32x2048xi32> to vector<16x2048xi32>
    %select_n3A_77 = arith.select %le3A_71, %slice3A_75, %slice3A_76 : vector<16x2048xi1>, vector<16x2048xi32>
    %slice3A_78 = vector.extract_strided_slice %select_n3A_74 {offsets = [0, 0], sizes = [8, 2048], strides = [1, 1]} : vector<16x2048xf32> to vector<8x2048xf32>
    %slice3A_79 = vector.extract_strided_slice %select_n3A_74 {offsets = [8, 0], sizes = [8, 2048], strides = [1, 1]} : vector<16x2048xf32> to vector<8x2048xf32>
    %le3A_80 = arith.cmpf ole, %slice3A_78, %slice3A_79 : vector<8x2048xf32>
    %slice3A_81 = vector.extract_strided_slice %select_n3A_74 {offsets = [0, 0], sizes = [8, 2048], strides = [1, 1]} : vector<16x2048xf32> to vector<8x2048xf32>
    %slice3A_82 = vector.extract_strided_slice %select_n3A_74 {offsets = [8, 0], sizes = [8, 2048], strides = [1, 1]} : vector<16x2048xf32> to vector<8x2048xf32>
    %select_n3A_83 = arith.select %le3A_80, %slice3A_81, %slice3A_82 : vector<8x2048xi1>, vector<8x2048xf32>
    %slice3A_84 = vector.extract_strided_slice %select_n3A_77 {offsets = [0, 0], sizes = [8, 2048], strides = [1, 1]} : vector<16x2048xi32> to vector<8x2048xi32>
    %slice3A_85 = vector.extract_strided_slice %select_n3A_77 {offsets = [8, 0], sizes = [8, 2048], strides = [1, 1]} : vector<16x2048xi32> to vector<8x2048xi32>
    %select_n3A_86 = arith.select %le3A_80, %slice3A_84, %slice3A_85 : vector<8x2048xi1>, vector<8x2048xi32>
    %reduce_min3A = arith.constant dense<0x7F800000> : vector<2048xf32>
    %reduce_min3A_87 = vector.multi_reduction <minimumf>, %select_n3A_83, %reduce_min3A [0] : vector<8x2048xf32> to vector<2048xf32>
    %broadcast_in_dim3A_88 = vector.shape_cast %reduce_min3A_87 : vector<2048xf32> to vector<1x2048xf32>
    %eq3A_89 = vector.broadcast %broadcast_in_dim3A_88 : vector<1x2048xf32> to vector<8x2048xf32>
    %eq3A_90 = arith.cmpf oeq, %select_n3A_83, %eq3A_89 : vector<8x2048xf32>
    %jit3A = arith.constant 2048 : i32
    %broadcast_in_dim3A_91 = vector.broadcast %jit3A : i32 to vector<8x2048xi32>
    %select_n3A_92 = arith.select %eq3A_90, %select_n3A_86, %broadcast_in_dim3A_91 : vector<8x2048xi1>, vector<8x2048xi32>
    %reduce_min3A_93 = arith.constant dense<2147483647> : vector<2048xi32>
    %reduce_min3A_94 = vector.multi_reduction <minsi>, %select_n3A_92, %reduce_min3A_93 [0] : vector<8x2048xi32> to vector<2048xi32>
    %broadcast_in_dim3A_95 = vector.shape_cast %reduce_min3A_94 : vector<2048xi32> to vector<1x2048xi32>
    %mul3A_96 = arith.constant 2048 : i32
    %mul3A_97 = arith.muli %arg1, %mul3A_96 : i32
    %add3A_98 = vector.broadcast %mul3A_97 : i32 to vector<1x2048xi32>
    %add3A_99 = arith.addi %broadcast_in_dim3A_95, %add3A_98 : vector<1x2048xi32>
    %get3A_100 = arith.constant 0 : index
    %get3A_101 = arith.constant 0 : index
    %get3A_102 = vector.load %arg5[%get3A_100, %get3A_101] : memref<1x2048xf32, #tpu.memory_space<vmem>>, vector<1x2048xf32>
    %lt3A = arith.cmpf olt, %broadcast_in_dim3A_88, %get3A_102 : vector<1x2048xf32>
    %get3A_103 = arith.constant 0 : index
    %get3A_104 = arith.constant 0 : index
    %get3A_105 = vector.load %arg5[%get3A_103, %get3A_104] : memref<1x2048xf32, #tpu.memory_space<vmem>>, vector<1x2048xf32>
    %select_n3A_106 = arith.select %lt3A, %broadcast_in_dim3A_88, %get3A_105 : vector<1x2048xi1>, vector<1x2048xf32>
    %swap3A = arith.constant 0 : index
    %swap3A_107 = arith.constant 0 : index
    %swap3A_108 = vector.load %arg5[%swap3A, %swap3A_107] : memref<1x2048xf32, #tpu.memory_space<vmem>>, vector<1x2048xf32>
    tpu.vector_store %arg5[%swap3A, %swap3A_107], %select_n3A_106 {strides = array<i32>} : memref<1x2048xf32, #tpu.memory_space<vmem>>, vector<1x2048xf32>,
    %broadcast_in_dim3A_109 = vector.shape_cast %lt3A : vector<1x2048xi1> to vector<1x1x2048xi1>
    %broadcast_in_dim3A_110 = vector.shape_cast %add3A_99 : vector<1x2048xi32> to vector<1x1x2048xi32>
    %get3A_111 = arith.constant 0 : index
    %get3A_112 = arith.constant 0 : index
    %get3A_113 = arith.constant 0 : index
    %get3A_114 = vector.load %arg4[%get3A_111, %get3A_112, %get3A_113] : memref<1x1x2048xi32, #tpu.memory_space<vmem>>, vector<1x1x2048xi32>
    %select_n3A_115 = arith.select %broadcast_in_dim3A_109, %broadcast_in_dim3A_110, %get3A_114 : vector<1x1x2048xi1>, vector<1x1x2048xi32>
    %swap3A_116 = arith.constant 0 : index
    %swap3A_117 = arith.constant 0 : index
    %swap3A_118 = arith.constant 0 : index
    %swap3A_119 = vector.load %arg4[%swap3A_116, %swap3A_117, %swap3A_118] : memref<1x1x2048xi32, #tpu.memory_space<vmem>>, vector<1x1x2048xi32>
    tpu.vector_store %arg4[%swap3A_116, %swap3A_117, %swap3A_118], %select_n3A_115 {strides = array<i32>} : memref<1x1x2048xi32, #tpu.memory_space<vmem>>, vector<1x1x2048xi32>,
    return
  }
  func.func @transform_0(%arg0: i32, %arg1: i32) -> (i32, i32) {
    %add3A = arith.constant 2 : i32
    %add3A_0 = arith.addi %arg0, %add3A : i32
    %c0_i32 = arith.constant 0 : i32
    %c0_i32_1 = arith.constant 0 : i32
    return %add3A_0, %c0_i32 : i32, i32
  }
  func.func @transform_1(%arg0: i32, %arg1: i32) -> (i32, i32) {
    %c0_i32 = arith.constant 0 : i32
    %c0_i32_0 = arith.constant 0 : i32
    return %arg1, %c0_i32 : i32, i32
  }
  func.func @transform_2(%arg0: i32, %arg1: i32) -> (i32, i32, i32) {
    %c0_i32 = arith.constant 0 : i32
    %c0_i32_0 = arith.constant 0 : i32
    %c0_i32_1 = arith.constant 0 : i32
    return %arg0, %c0_i32, %c0_i32_0 : i32, i32, i32
  }
}

module attributes {stable_mosaic.version = 14 : i64} {
  func.func @_argmin_body(%arg0: i32, %arg1: i32, %arg2: memref<2048x256xf32, #tpu.memory_space<vmem>>, %arg3: memref<2048x256xf32, #tpu.memory_space<vmem>>, %arg4: memref<1x1x2048xi32, #tpu.memory_space<vmem>>, %arg5: memref<1x2048xf32, #tpu.memory_space<vmem>>, %arg6: memref<1x2048xf32, #tpu.memory_space<vmem>>) attributes {dimension_semantics = [#tpu.dimension_semantics<arbitrary>, #tpu.dimension_semantics<arbitrary>], iteration_bounds = array<i64: 2, 4>, scalar_prefetch = 0 : i64, scratch_operands = 2 : i64, tpu.core_type = #tpu.core_type<tc>, window_params = [{transform_indices = @transform_0, window_bounds = array<i64: 2048, 256>}, {transform_indices = @transform_1, window_bounds = array<i64: 2048, 256>}, {transform_indices = @transform_2, window_bounds = array<i64: 1, 1, 2048>}]} {
    %eq3A = arith.constant 0 : i32
    %eq3A_0 = arith.cmpi eq, %arg1, %eq3A : i32
    %convert_element_type3A = arith.extui %eq3A_0 : i1 to i32
    %cond3A = arith.constant 0 : i32
    %cond3A_1 = arith.cmpi ne, %convert_element_type3A, %cond3A : i32
    scf.if %cond3A_1 {
      %broadcast_in_dim3A_120 = arith.constant 0x7F800000 : f32
      %broadcast_in_dim3A_121 = vector.broadcast %broadcast_in_dim3A_120 : f32 to vector<1x2048xf32>
      %swap3A_122 = arith.constant 0 : index
      %swap3A_123 = arith.constant 0 : index
      %swap3A_124 = vector.load %arg5[%swap3A_122, %swap3A_123] : memref<1x2048xf32, #tpu.memory_space<vmem>>, vector<1x2048xf32>
      tpu.vector_store %arg5[%swap3A_122, %swap3A_123], %broadcast_in_dim3A_121 {strides = array<i32>} : memref<1x2048xf32, #tpu.memory_space<vmem>>, vector<1x2048xf32>,
      %broadcast_in_dim3A_125 = arith.constant 0 : i32
      %broadcast_in_dim3A_126 = vector.broadcast %broadcast_in_dim3A_125 : i32 to vector<1x1x2048xi32>
      %swap3A_127 = arith.constant 0 : index
      %swap3A_128 = arith.constant 0 : index
      %swap3A_129 = arith.constant 0 : index
      %swap3A_130 = vector.load %arg4[%swap3A_127, %swap3A_128, %swap3A_129] : memref<1x1x2048xi32, #tpu.memory_space<vmem>>, vector<1x1x2048xi32>
      tpu.vector_store %arg4[%swap3A_127, %swap3A_128, %swap3A_129], %broadcast_in_dim3A_126 {strides = array<i32>} : memref<1x1x2048xi32, #tpu.memory_space<vmem>>, vector<1x1x2048xi32>,
      %get3A_131 = arith.constant 0 : index
      %get3A_132 = arith.constant 0 : index
      %get3A_133 = vector.load %arg2[%get3A_131, %get3A_132] : memref<2048x256xf32, #tpu.memory_space<vmem>>, vector<2048x256xf32>
      %mul3A_134 = arith.mulf %get3A_133, %get3A_133 : vector<2048x256xf32>
      %reduce_sum3A_135 = arith.constant dense<0.000000e+00> : vector<2048xf32>
      %reduce_sum3A_136 = vector.multi_reduction <add>, %mul3A_134, %reduce_sum3A_135 [1] : vector<2048x256xf32> to vector<2048xf32>
      %broadcast_in_dim3A_137 = vector.shape_cast %reduce_sum3A_136 : vector<2048xf32> to vector<2048x1xf32>
      %reshape3A = vector.shape_cast %broadcast_in_dim3A_137 : vector<2048x1xf32> to vector<1x2048xf32>
      %swap3A_138 = arith.constant 0 : index
      %swap3A_139 = arith.constant 0 : index
      %swap3A_140 = vector.load %arg6[%swap3A_138, %swap3A_139] : memref<1x2048xf32, #tpu.memory_space<vmem>>, vector<1x2048xf32>
      tpu.vector_store %arg6[%swap3A_138, %swap3A_139], %reshape3A {strides = array<i32>} : memref<1x2048xf32, #tpu.memory_space<vmem>>, vector<1x2048xf32>,
    } else {
    }
    %get3A = arith.constant 0 : index
    %get3A_2 = arith.constant 0 : index
    %get3A_3 = vector.load %arg2[%get3A, %get3A_2] : memref<2048x256xf32, #tpu.memory_space<vmem>>, vector<2048x256xf32>
    %mul3A = arith.constant -2.000000e+00 : f32
    %mul3A_4 = vector.broadcast %mul3A : f32 to vector<2048x256xf32>
    %mul3A_5 = arith.mulf %get3A_3, %mul3A_4 : vector<2048x256xf32>
    %get3A_6 = arith.constant 0 : index
    %get3A_7 = arith.constant 0 : index
    %get3A_8 = vector.load %arg3[%get3A_6, %get3A_7] : memref<2048x256xf32, #tpu.memory_space<vmem>>, vector<2048x256xf32>
    %mul3A_9 = arith.mulf %get3A_8, %get3A_8 : vector<2048x256xf32>
    %reduce_sum3A = arith.constant dense<0.000000e+00> : vector<2048xf32>
    %reduce_sum3A_10 = vector.multi_reduction <add>, %mul3A_9, %reduce_sum3A [1] : vector<2048x256xf32> to vector<2048xf32>
    %broadcast_in_dim3A = vector.shape_cast %reduce_sum3A_10 : vector<2048xf32> to vector<2048x1xf32>
    %get3A_11 = arith.constant 0 : index
    %get3A_12 = arith.constant 0 : index
    %get3A_13 = vector.load %arg6[%get3A_11, %get3A_12] : memref<1x2048xf32, #tpu.memory_space<vmem>>, vector<1x2048xf32>
    %add3A = vector.broadcast %get3A_13 : vector<1x2048xf32> to vector<2048x2048xf32>
    %add3A_14 = vector.broadcast %broadcast_in_dim3A : vector<2048x1xf32> to vector<2048x2048xf32>
    %add3A_15 = arith.addf %add3A, %add3A_14 : vector<2048x2048xf32>
    %dot_general3A = arith.constant dense<0.000000e+00> : vector<2048x2048xf32>
    %dot_general3A_16 = tpu.matmul %get3A_8, %mul3A_5, %dot_general3A {dimension_numbers = #tpu.dot_dimension_numbers<[1], [1], [0], [0], [0, 0, 1, 0], [], []>, transpose_lhs_hint = false} : vector<2048x256xf32>, vector<2048x256xf32>, vector<2048x2048xf32> -> vector<2048x2048xf32>
    %add3A_17 = arith.addf %add3A_15, %dot_general3A_16 : vector<2048x2048xf32>
    %iota3A = tpu.iota {dimensions = array<i32: 0>} : vector<2048x2048xi32>
    %slice3A = vector.extract_strided_slice %add3A_17 {offsets = [0, 0], sizes = [1024, 2048], strides = [1, 1]} : vector<2048x2048xf32> to vector<1024x2048xf32>
    %slice3A_18 = vector.extract_strided_slice %add3A_17 {offsets = [1024, 0], sizes = [1024, 2048], strides = [1, 1]} : vector<2048x2048xf32> to vector<1024x2048xf32>
    %le3A = arith.cmpf ole, %slice3A, %slice3A_18 : vector<1024x2048xf32>
    %slice3A_19 = vector.extract_strided_slice %add3A_17 {offsets = [0, 0], sizes = [1024, 2048], strides = [1, 1]} : vector<2048x2048xf32> to vector<1024x2048xf32>
    %slice3A_20 = vector.extract_strided_slice %add3A_17 {offsets = [1024, 0], sizes = [1024, 2048], strides = [1, 1]} : vector<2048x2048xf32> to vector<1024x2048xf32>
    %select_n3A = arith.select %le3A, %slice3A_19, %slice3A_20 : vector<1024x2048xi1>, vector<1024x2048xf32>
    %slice3A_21 = vector.extract_strided_slice %iota3A {offsets = [0, 0], sizes = [1024, 2048], strides = [1, 1]} : vector<2048x2048xi32> to vector<1024x2048xi32>
    %slice3A_22 = vector.extract_strided_slice %iota3A {offsets = [1024, 0], sizes = [1024, 2048], strides = [1, 1]} : vector<2048x2048xi32> to vector<1024x2048xi32>
    %select_n3A_23 = arith.select %le3A, %slice3A_21, %slice3A_22 : vector<1024x2048xi1>, vector<1024x2048xi32>
    %slice3A_24 = vector.extract_strided_slice %select_n3A {offsets = [0, 0], sizes = [512, 2048], strides = [1, 1]} : vector<1024x2048xf32> to vector<512x2048xf32>
    %slice3A_25 = vector.extract_strided_slice %select_n3A {offsets = [512, 0], sizes = [512, 2048], strides = [1, 1]} : vector<1024x2048xf32> to vector<512x2048xf32>
    %le3A_26 = arith.cmpf ole, %slice3A_24, %slice3A_25 : vector<512x2048xf32>
    %slice3A_27 = vector.extract_strided_slice %select_n3A {offsets = [0, 0], sizes = [512, 2048], strides = [1, 1]} : vector<1024x2048xf32> to vector<512x2048xf32>
    %slice3A_28 = vector.extract_strided_slice %select_n3A {offsets = [512, 0], sizes = [512, 2048], strides = [1, 1]} : vector<1024x2048xf32> to vector<512x2048xf32>
    %select_n3A_29 = arith.select %le3A_26, %slice3A_27, %slice3A_28 : vector<512x2048xi1>, vector<512x2048xf32>
    %slice3A_30 = vector.extract_strided_slice %select_n3A_23 {offsets = [0, 0], sizes = [512, 2048], strides = [1, 1]} : vector<1024x2048xi32> to vector<512x2048xi32>
    %slice3A_31 = vector.extract_strided_slice %select_n3A_23 {offsets = [512, 0], sizes = [512, 2048], strides = [1, 1]} : vector<1024x2048xi32> to vector<512x2048xi32>
    %select_n3A_32 = arith.select %le3A_26, %slice3A_30, %slice3A_31 : vector<512x2048xi1>, vector<512x2048xi32>
    %slice3A_33 = vector.extract_strided_slice %select_n3A_29 {offsets = [0, 0], sizes = [256, 2048], strides = [1, 1]} : vector<512x2048xf32> to vector<256x2048xf32>
    %slice3A_34 = vector.extract_strided_slice %select_n3A_29 {offsets = [256, 0], sizes = [256, 2048], strides = [1, 1]} : vector<512x2048xf32> to vector<256x2048xf32>
    %le3A_35 = arith.cmpf ole, %slice3A_33, %slice3A_34 : vector<256x2048xf32>
    %slice3A_36 = vector.extract_strided_slice %select_n3A_29 {offsets = [0, 0], sizes = [256, 2048], strides = [1, 1]} : vector<512x2048xf32> to vector<256x2048xf32>
    %slice3A_37 = vector.extract_strided_slice %select_n3A_29 {offsets = [256, 0], sizes = [256, 2048], strides = [1, 1]} : vector<512x2048xf32> to vector<256x2048xf32>
    %select_n3A_38 = arith.select %le3A_35, %slice3A_36, %slice3A_37 : vector<256x2048xi1>, vector<256x2048xf32>
    %slice3A_39 = vector.extract_strided_slice %select_n3A_32 {offsets = [0, 0], sizes = [256, 2048], strides = [1, 1]} : vector<512x2048xi32> to vector<256x2048xi32>
    %slice3A_40 = vector.extract_strided_slice %select_n3A_32 {offsets = [256, 0], sizes = [256, 2048], strides = [1, 1]} : vector<512x2048xi32> to vector<256x2048xi32>
    %select_n3A_41 = arith.select %le3A_35, %slice3A_39, %slice3A_40 : vector<256x2048xi1>, vector<256x2048xi32>
    %slice3A_42 = vector.extract_strided_slice %select_n3A_38 {offsets = [0, 0], sizes = [128, 2048], strides = [1, 1]} : vector<256x2048xf32> to vector<128x2048xf32>
    %slice3A_43 = vector.extract_strided_slice %select_n3A_38 {offsets = [128, 0], sizes = [128, 2048], strides = [1, 1]} : vector<256x2048xf32> to vector<128x2048xf32>
    %le3A_44 = arith.cmpf ole, %slice3A_42, %slice3A_43 : vector<128x2048xf32>
    %slice3A_45 = vector.extract_strided_slice %select_n3A_38 {offsets = [0, 0], sizes = [128, 2048], strides = [1, 1]} : vector<256x2048xf32> to vector<128x2048xf32>
    %slice3A_46 = vector.extract_strided_slice %select_n3A_38 {offsets = [128, 0], sizes = [128, 2048], strides = [1, 1]} : vector<256x2048xf32> to vector<128x2048xf32>
    %select_n3A_47 = arith.select %le3A_44, %slice3A_45, %slice3A_46 : vector<128x2048xi1>, vector<128x2048xf32>
    %slice3A_48 = vector.extract_strided_slice %select_n3A_41 {offsets = [0, 0], sizes = [128, 2048], strides = [1, 1]} : vector<256x2048xi32> to vector<128x2048xi32>
    %slice3A_49 = vector.extract_strided_slice %select_n3A_41 {offsets = [128, 0], sizes = [128, 2048], strides = [1, 1]} : vector<256x2048xi32> to vector<128x2048xi32>
    %select_n3A_50 = arith.select %le3A_44, %slice3A_48, %slice3A_49 : vector<128x2048xi1>, vector<128x2048xi32>
    %slice3A_51 = vector.extract_strided_slice %select_n3A_47 {offsets = [0, 0], sizes = [64, 2048], strides = [1, 1]} : vector<128x2048xf32> to vector<64x2048xf32>
    %slice3A_52 = vector.extract_strided_slice %select_n3A_47 {offsets = [64, 0], sizes = [64, 2048], strides = [1, 1]} : vector<128x2048xf32> to vector<64x2048xf32>
    %le3A_53 = arith.cmpf ole, %slice3A_51, %slice3A_52 : vector<64x2048xf32>
    %slice3A_54 = vector.extract_strided_slice %select_n3A_47 {offsets = [0, 0], sizes = [64, 2048], strides = [1, 1]} : vector<128x2048xf32> to vector<64x2048xf32>
    %slice3A_55 = vector.extract_strided_slice %select_n3A_47 {offsets = [64, 0], sizes = [64, 2048], strides = [1, 1]} : vector<128x2048xf32> to vector<64x2048xf32>
    %select_n3A_56 = arith.select %le3A_53, %slice3A_54, %slice3A_55 : vector<64x2048xi1>, vector<64x2048xf32>
    %slice3A_57 = vector.extract_strided_slice %select_n3A_50 {offsets = [0, 0], sizes = [64, 2048], strides = [1, 1]} : vector<128x2048xi32> to vector<64x2048xi32>
    %slice3A_58 = vector.extract_strided_slice %select_n3A_50 {offsets = [64, 0], sizes = [64, 2048], strides = [1, 1]} : vector<128x2048xi32> to vector<64x2048xi32>
    %select_n3A_59 = arith.select %le3A_53, %slice3A_57, %slice3A_58 : vector<64x2048xi1>, vector<64x2048xi32>
    %slice3A_60 = vector.extract_strided_slice %select_n3A_56 {offsets = [0, 0], sizes = [32, 2048], strides = [1, 1]} : vector<64x2048xf32> to vector<32x2048xf32>
    %slice3A_61 = vector.extract_strided_slice %select_n3A_56 {offsets = [32, 0], sizes = [32, 2048], strides = [1, 1]} : vector<64x2048xf32> to vector<32x2048xf32>
    %le3A_62 = arith.cmpf ole, %slice3A_60, %slice3A_61 : vector<32x2048xf32>
    %slice3A_63 = vector.extract_strided_slice %select_n3A_56 {offsets = [0, 0], sizes = [32, 2048], strides = [1, 1]} : vector<64x2048xf32> to vector<32x2048xf32>
    %slice3A_64 = vector.extract_strided_slice %select_n3A_56 {offsets = [32, 0], sizes = [32, 2048], strides = [1, 1]} : vector<64x2048xf32> to vector<32x2048xf32>
    %select_n3A_65 = arith.select %le3A_62, %slice3A_63, %slice3A_64 : vector<32x2048xi1>, vector<32x2048xf32>
    %slice3A_66 = vector.extract_strided_slice %select_n3A_59 {offsets = [0, 0], sizes = [32, 2048], strides = [1, 1]} : vector<64x2048xi32> to vector<32x2048xi32>
    %slice3A_67 = vector.extract_strided_slice %select_n3A_59 {offsets = [32, 0], sizes = [32, 2048], strides = [1, 1]} : vector<64x2048xi32> to vector<32x2048xi32>
    %select_n3A_68 = arith.select %le3A_62, %slice3A_66, %slice3A_67 : vector<32x2048xi1>, vector<32x2048xi32>
    %slice3A_69 = vector.extract_strided_slice %select_n3A_65 {offsets = [0, 0], sizes = [16, 2048], strides = [1, 1]} : vector<32x2048xf32> to vector<16x2048xf32>
    %slice3A_70 = vector.extract_strided_slice %select_n3A_65 {offsets = [16, 0], sizes = [16, 2048], strides = [1, 1]} : vector<32x2048xf32> to vector<16x2048xf32>
    %le3A_71 = arith.cmpf ole, %slice3A_69, %slice3A_70 : vector<16x2048xf32>
    %slice3A_72 = vector.extract_strided_slice %select_n3A_65 {offsets = [0, 0], sizes = [16, 2048], strides = [1, 1]} : vector<32x2048xf32> to vector<16x2048xf32>
    %slice3A_73 = vector.extract_strided_slice %select_n3A_65 {offsets = [16, 0], sizes = [16, 2048], strides = [1, 1]} : vector<32x2048xf32> to vector<16x2048xf32>
    %select_n3A_74 = arith.select %le3A_71, %slice3A_72, %slice3A_73 : vector<16x2048xi1>, vector<16x2048xf32>
    %slice3A_75 = vector.extract_strided_slice %select_n3A_68 {offsets = [0, 0], sizes = [16, 2048], strides = [1, 1]} : vector<32x2048xi32> to vector<16x2048xi32>
    %slice3A_76 = vector.extract_strided_slice %select_n3A_68 {offsets = [16, 0], sizes = [16, 2048], strides = [1, 1]} : vector<32x2048xi32> to vector<16x2048xi32>
    %select_n3A_77 = arith.select %le3A_71, %slice3A_75, %slice3A_76 : vector<16x2048xi1>, vector<16x2048xi32>
    %slice3A_78 = vector.extract_strided_slice %select_n3A_74 {offsets = [0, 0], sizes = [8, 2048], strides = [1, 1]} : vector<16x2048xf32> to vector<8x2048xf32>
    %slice3A_79 = vector.extract_strided_slice %select_n3A_74 {offsets = [8, 0], sizes = [8, 2048], strides = [1, 1]} : vector<16x2048xf32> to vector<8x2048xf32>
    %le3A_80 = arith.cmpf ole, %slice3A_78, %slice3A_79 : vector<8x2048xf32>
    %slice3A_81 = vector.extract_strided_slice %select_n3A_74 {offsets = [0, 0], sizes = [8, 2048], strides = [1, 1]} : vector<16x2048xf32> to vector<8x2048xf32>
    %slice3A_82 = vector.extract_strided_slice %select_n3A_74 {offsets = [8, 0], sizes = [8, 2048], strides = [1, 1]} : vector<16x2048xf32> to vector<8x2048xf32>
    %select_n3A_83 = arith.select %le3A_80, %slice3A_81, %slice3A_82 : vector<8x2048xi1>, vector<8x2048xf32>
    %slice3A_84 = vector.extract_strided_slice %select_n3A_77 {offsets = [0, 0], sizes = [8, 2048], strides = [1, 1]} : vector<16x2048xi32> to vector<8x2048xi32>
    %slice3A_85 = vector.extract_strided_slice %select_n3A_77 {offsets = [8, 0], sizes = [8, 2048], strides = [1, 1]} : vector<16x2048xi32> to vector<8x2048xi32>
    %select_n3A_86 = arith.select %le3A_80, %slice3A_84, %slice3A_85 : vector<8x2048xi1>, vector<8x2048xi32>
    %reduce_min3A = arith.constant dense<0x7F800000> : vector<2048xf32>
    %reduce_min3A_87 = vector.multi_reduction <minimumf>, %select_n3A_83, %reduce_min3A [0] : vector<8x2048xf32> to vector<2048xf32>
    %broadcast_in_dim3A_88 = vector.shape_cast %reduce_min3A_87 : vector<2048xf32> to vector<1x2048xf32>
    %eq3A_89 = vector.broadcast %broadcast_in_dim3A_88 : vector<1x2048xf32> to vector<8x2048xf32>
    %eq3A_90 = arith.cmpf oeq, %select_n3A_83, %eq3A_89 : vector<8x2048xf32>
    %jit3A = arith.constant 2048 : i32
    %broadcast_in_dim3A_91 = vector.broadcast %jit3A : i32 to vector<8x2048xi32>
    %select_n3A_92 = arith.select %eq3A_90, %select_n3A_86, %broadcast_in_dim3A_91 : vector<8x2048xi1>, vector<8x2048xi32>
    %reduce_min3A_93 = arith.constant dense<2147483647> : vector<2048xi32>
    %reduce_min3A_94 = vector.multi_reduction <minsi>, %select_n3A_92, %reduce_min3A_93 [0] : vector<8x2048xi32> to vector<2048xi32>
    %broadcast_in_dim3A_95 = vector.shape_cast %reduce_min3A_94 : vector<2048xi32> to vector<1x2048xi32>
    %mul3A_96 = arith.constant 2048 : i32
    %mul3A_97 = arith.muli %arg1, %mul3A_96 : i32
    %add3A_98 = vector.broadcast %mul3A_97 : i32 to vector<1x2048xi32>
    %add3A_99 = arith.addi %broadcast_in_dim3A_95, %add3A_98 : vector<1x2048xi32>
    %get3A_100 = arith.constant 0 : index
    %get3A_101 = arith.constant 0 : index
    %get3A_102 = vector.load %arg5[%get3A_100, %get3A_101] : memref<1x2048xf32, #tpu.memory_space<vmem>>, vector<1x2048xf32>
    %lt3A = arith.cmpf olt, %broadcast_in_dim3A_88, %get3A_102 : vector<1x2048xf32>
    %get3A_103 = arith.constant 0 : index
    %get3A_104 = arith.constant 0 : index
    %get3A_105 = vector.load %arg5[%get3A_103, %get3A_104] : memref<1x2048xf32, #tpu.memory_space<vmem>>, vector<1x2048xf32>
    %select_n3A_106 = arith.select %lt3A, %broadcast_in_dim3A_88, %get3A_105 : vector<1x2048xi1>, vector<1x2048xf32>
    %swap3A = arith.constant 0 : index
    %swap3A_107 = arith.constant 0 : index
    %swap3A_108 = vector.load %arg5[%swap3A, %swap3A_107] : memref<1x2048xf32, #tpu.memory_space<vmem>>, vector<1x2048xf32>
    tpu.vector_store %arg5[%swap3A, %swap3A_107], %select_n3A_106 {strides = array<i32>} : memref<1x2048xf32, #tpu.memory_space<vmem>>, vector<1x2048xf32>,
    %broadcast_in_dim3A_109 = vector.shape_cast %lt3A : vector<1x2048xi1> to vector<1x1x2048xi1>
    %broadcast_in_dim3A_110 = vector.shape_cast %add3A_99 : vector<1x2048xi32> to vector<1x1x2048xi32>
    %get3A_111 = arith.constant 0 : index
    %get3A_112 = arith.constant 0 : index
    %get3A_113 = arith.constant 0 : index
    %get3A_114 = vector.load %arg4[%get3A_111, %get3A_112, %get3A_113] : memref<1x1x2048xi32, #tpu.memory_space<vmem>>, vector<1x1x2048xi32>
    %select_n3A_115 = arith.select %broadcast_in_dim3A_109, %broadcast_in_dim3A_110, %get3A_114 : vector<1x1x2048xi1>, vector<1x1x2048xi32>
    %swap3A_116 = arith.constant 0 : index
    %swap3A_117 = arith.constant 0 : index
    %swap3A_118 = arith.constant 0 : index
    %swap3A_119 = vector.load %arg4[%swap3A_116, %swap3A_117, %swap3A_118] : memref<1x1x2048xi32, #tpu.memory_space<vmem>>, vector<1x1x2048xi32>
    tpu.vector_store %arg4[%swap3A_116, %swap3A_117, %swap3A_118], %select_n3A_115 {strides = array<i32>} : memref<1x1x2048xi32, #tpu.memory_space<vmem>>, vector<1x1x2048xi32>,
    return
  }
  func.func @transform_0(%arg0: i32, %arg1: i32) -> (i32, i32) {
    %add3A = arith.constant 0 : i32
    %add3A_0 = arith.addi %arg0, %add3A : i32
    %c0_i32 = arith.constant 0 : i32
    %c0_i32_1 = arith.constant 0 : i32
    return %add3A_0, %c0_i32 : i32, i32
  }
  func.func @transform_1(%arg0: i32, %arg1: i32) -> (i32, i32) {
    %c0_i32 = arith.constant 0 : i32
    %c0_i32_0 = arith.constant 0 : i32
    return %arg1, %c0_i32 : i32, i32
  }
  func.func @transform_2(%arg0: i32, %arg1: i32) -> (i32, i32, i32) {
    %c0_i32 = arith.constant 0 : i32
    %c0_i32_0 = arith.constant 0 : i32
    %c0_i32_1 = arith.constant 0 : i32
    return %arg0, %c0_i32, %c0_i32_0 : i32, i32, i32
  }
}

module attributes {stable_mosaic.version = 14 : i64} {
  func.func @_finish_body_alias(%arg0: i32, %arg1: memref<2048x256xf32, #tpu.memory_space<vmem>>, %arg2: memref<2048x256xf32, #tpu.memory_space<vmem>>, %arg3: memref<2048x256xf32, #tpu.memory_space<vmem>>, %arg4: memref<8192x256xf32, #tpu.memory_space<any>>, %arg5: memref<8192xf32, #tpu.memory_space<any>>, %arg6: memref<1x1xf32, #tpu.memory_space<vmem>>, %arg7: memref<2048x256xf32, #tpu.memory_space<vmem>>, %arg8: memref<2048xf32, #tpu.memory_space<vmem>>, %arg9: memref<1x1xf32, #tpu.memory_space<vmem>>) attributes {dimension_semantics = [#tpu.dimension_semantics<arbitrary>], iteration_bounds = array<i64: 2>, scalar_prefetch = 0 : i64, scratch_operands = 0 : i64, tpu.core_type = #tpu.core_type<tc>, window_params = [{transform_indices = @transform_0, window_bounds = array<i64: 2048, 256>}, {transform_indices = @transform_1, window_bounds = array<i64: 2048, 256>}, {transform_indices = @transform_2, window_bounds = array<i64: 2048, 256>}, {}, {}, {pipeline_mode = #tpu.pipeline_mode<synchronous>, transform_indices = @transform_5, window_bounds = array<i64: 1, 1>}, {transform_indices = @transform_6, window_bounds = array<i64: 2048, 256>}, {transform_indices = @transform_7, window_bounds = array<i64: 2048>}, {pipeline_mode = #tpu.pipeline_mode<synchronous>, transform_indices = @transform_8, window_bounds = array<i64: 1, 1>}]} {
    %get3A = arith.constant 0 : index
    %get3A_0 = arith.constant 0 : index
    %get3A_1 = vector.load %arg1[%get3A, %get3A_0] : memref<2048x256xf32, #tpu.memory_space<vmem>>, vector<2048x256xf32>
    %get3A_2 = arith.constant 0 : index
    %get3A_3 = arith.constant 0 : index
    %get3A_4 = vector.load %arg2[%get3A_2, %get3A_3] : memref<2048x256xf32, #tpu.memory_space<vmem>>, vector<2048x256xf32>
    %sub3A = arith.subf %get3A_4, %get3A_1 : vector<2048x256xf32>
    %mul3A = arith.mulf %sub3A, %sub3A : vector<2048x256xf32>
    %reduce_sum3A = arith.constant dense<0.000000e+00> : vector<2048xf32>
    %reduce_sum3A_5 = vector.multi_reduction <add>, %mul3A, %reduce_sum3A [1] : vector<2048x256xf32> to vector<2048xf32>
    %broadcast_in_dim3A = vector.shape_cast %reduce_sum3A_5 : vector<2048xf32> to vector<2048x1xf32>
    %sqrt3A = math.sqrt %broadcast_in_dim3A : vector<2048x1xf32>
    %get3A_6 = arith.constant 0 : index
    %get3A_7 = arith.constant 0 : index
    %get3A_8 = vector.load %arg3[%get3A_6, %get3A_7] : memref<2048x256xf32, #tpu.memory_space<vmem>>, vector<2048x256xf32>
    %add3A = arith.addf %get3A_8, %sub3A : vector<2048x256xf32>
    %mul3A_9 = arith.mulf %add3A, %add3A : vector<2048x256xf32>
    %reduce_sum3A_10 = arith.constant dense<0.000000e+00> : vector<2048xf32>
    %reduce_sum3A_11 = vector.multi_reduction <add>, %mul3A_9, %reduce_sum3A_10 [1] : vector<2048x256xf32> to vector<2048xf32>
    %broadcast_in_dim3A_12 = vector.shape_cast %reduce_sum3A_11 : vector<2048xf32> to vector<2048x1xf32>
    %sqrt3A_13 = math.sqrt %broadcast_in_dim3A_12 : vector<2048x1xf32>
    %add3A_14 = arith.constant 9.99999993E-9 : f32
    %add3A_15 = vector.broadcast %add3A_14 : f32 to vector<2048x1xf32>
    %add3A_16 = arith.addf %sqrt3A_13, %add3A_15 : vector<2048x1xf32>
    %div3A = arith.divf %sqrt3A, %add3A_16 : vector<2048x1xf32>
    %mul3A_17 = vector.broadcast %div3A : vector<2048x1xf32> to vector<2048x256xf32>
    %mul3A_18 = arith.mulf %add3A, %mul3A_17 : vector<2048x256xf32>
    %add3A_19 = arith.addf %get3A_1, %mul3A_18 : vector<2048x256xf32>
    %swap3A = arith.constant 0 : index
    %swap3A_20 = arith.constant 0 : index
    %swap3A_21 = vector.load %arg7[%swap3A, %swap3A_20] : memref<2048x256xf32, #tpu.memory_space<vmem>>, vector<2048x256xf32>
    tpu.vector_store %arg7[%swap3A, %swap3A_20], %add3A_19 {strides = array<i32>} : memref<2048x256xf32, #tpu.memory_space<vmem>>, vector<2048x256xf32>,
    %reshape3A = vector.shape_cast %sqrt3A : vector<2048x1xf32> to vector<2048xf32>
    %swap3A_22 = arith.constant 0 : index
    %swap3A_23 = vector.load %arg8[%swap3A_22] : memref<2048xf32, #tpu.memory_space<vmem>>, vector<2048xf32>
    tpu.vector_store %arg8[%swap3A_22], %reshape3A {strides = array<i32>} : memref<2048xf32, #tpu.memory_space<vmem>>, vector<2048xf32>,
    %reduce_sum3A_24 = vector.shape_cast %broadcast_in_dim3A : vector<2048x1xf32> to vector<1x2048x1xf32>
    %reduce_sum3A_25 = arith.constant dense<0.000000e+00> : vector<1xf32>
    %reduce_sum3A_26 = vector.multi_reduction <add>, %reduce_sum3A_24, %reduce_sum3A_25 [1, 2] : vector<1x2048x1xf32> to vector<1xf32>
    %reduce_sum3A_27 = vector.shape_cast %reduce_sum3A_26 : vector<1xf32> to vector<1x1x1xf32>
    %reduce_sum3A_28 = vector.extract %reduce_sum3A_27[0, 0, 0] : f32 from vector<1x1x1xf32>
    %eq3A = arith.constant 0 : i32
    %eq3A_29 = arith.cmpi eq, %arg0, %eq3A : i32
    %get3A_30 = arith.constant 0 : index
    %get3A_31 = arith.constant 0 : index
    %get3A_32 = vector.load %arg9[%get3A_30, %get3A_31] : memref<1x1xf32, #tpu.memory_space<vmem>>, vector<1x1xf32>
    %get3A_33 = vector.extract %get3A_32[0, 0] : f32 from vector<1x1xf32>
    %jit3A = arith.constant 0.000000e+00 : f32
    %select_n3A = arith.select %eq3A_29, %jit3A, %get3A_33 : f32
    %add3A_34 = arith.addf %select_n3A, %reduce_sum3A_28 : f32
    %eq3A_35 = arith.constant 1 : i32
    %eq3A_36 = arith.cmpi eq, %arg0, %eq3A_35 : i32
    %get3A_37 = arith.constant 0 : index
    %get3A_38 = arith.constant 0 : index
    %get3A_39 = vector.load %arg6[%get3A_37, %get3A_38] : memref<1x1xf32, #tpu.memory_space<vmem>>, vector<1x1xf32>
    %get3A_40 = vector.extract %get3A_39[0, 0] : f32 from vector<1x1xf32>
    %add3A_41 = arith.addf %add3A_34, %get3A_40 : f32
    %mul3A_42 = arith.constant 4.76837158E-7 : f32
    %mul3A_43 = arith.mulf %add3A_41, %mul3A_42 : f32
    %select_n3A_44 = arith.select %eq3A_36, %mul3A_43, %add3A_34 : f32
    %broadcast_in_dim3A_45 = vector.broadcast %select_n3A_44 : f32 to vector<1x1xf32>
    %swap3A_46 = arith.constant 0 : index
    %swap3A_47 = arith.constant 0 : index
    %swap3A_48 = vector.load %arg9[%swap3A_46, %swap3A_47] : memref<1x1xf32, #tpu.memory_space<vmem>>, vector<1x1xf32>
    tpu.vector_store %arg9[%swap3A_46, %swap3A_47], %broadcast_in_dim3A_45 {strides = array<i32>} : memref<1x1xf32, #tpu.memory_space<vmem>>, vector<1x1xf32>,
    return
  }
  func.func @transform_0(%arg0: i32) -> (i32, i32) {
    %add3A = arith.constant 2 : i32
    %add3A_0 = arith.addi %arg0, %add3A : i32
    %c0_i32 = arith.constant 0 : i32
    %c0_i32_1 = arith.constant 0 : i32
    return %add3A_0, %c0_i32 : i32, i32
  }
  func.func @transform_1(%arg0: i32) -> (i32, i32) {
    %c0_i32 = arith.constant 0 : i32
    %c0_i32_0 = arith.constant 0 : i32
    return %arg0, %c0_i32 : i32, i32
  }
  func.func @transform_2(%arg0: i32) -> (i32, i32) {
    %add3A = arith.constant 2 : i32
    %add3A_0 = arith.addi %arg0, %add3A : i32
    %c0_i32 = arith.constant 0 : i32
    %c0_i32_1 = arith.constant 0 : i32
    return %add3A_0, %c0_i32 : i32, i32
  }
  func.func @transform_5(%arg0: i32) -> (i32, i32) {
    %c0_i32 = arith.constant 0 : i32
    %c0_i32_0 = arith.constant 0 : i32
    %c0_i32_1 = arith.constant 0 : i32
    return %c0_i32, %c0_i32_0 : i32, i32
  }
  func.func @transform_6(%arg0: i32) -> (i32, i32) {
    %add3A = arith.constant 2 : i32
    %add3A_0 = arith.addi %arg0, %add3A : i32
    %c0_i32 = arith.constant 0 : i32
    %c0_i32_1 = arith.constant 0 : i32
    return %add3A_0, %c0_i32 : i32, i32
  }
  func.func @transform_7(%arg0: i32) -> i32 {
    %add3A = arith.constant 2 : i32
    %add3A_0 = arith.addi %arg0, %add3A : i32
    %c0_i32 = arith.constant 0 : i32
    return %add3A_0 : i32
  }
  func.func @transform_8(%arg0: i32) -> (i32, i32) {
    %c0_i32 = arith.constant 0 : i32
    %c0_i32_0 = arith.constant 0 : i32
    %c0_i32_1 = arith.constant 0 : i32
    return %c0_i32, %c0_i32_0 : i32, i32
  }
}

</mosaic_0001>

<sc_bundles>
// kernel: kernel.11.cloned.1.call-start
scs
__scs_entry_jumppad:
0x0: {  	(pc) =	sbr.rel $0x88, $3  }
0x1: {  	(tag) =	ssettag $0x0;
	lr =	simm.s32 $0x1  }
0x2: {  	[smem:$0x3F9E] =	sst lr;
	_ =	strace $0xD0000000  }
0x3: {  	_ = 	snop  }
0x4: {  	_ = 	snop  }
0x5: {  	_ = 	snop  }
0x6: {  	_ = 	snop  }
0x7: {  	_ = 	snop  }
__scs_overlays_trampoline_lowered:
0x8: {  	[smem:$0x3FAD] =	sst s0  }
0x9: {  	[smem:$0x3FAE] =	sst s1  }
0xa: {  	[smem:$0x3FAF] =	sst s2  }
0xb: {  	[smem:$0x3FB0] =	sst s3  }
0xc: {  	[smem:$0x3FB1] =	sst s4  }
0xd: {  	[smem:$0x3FB2] =	sst s5  }
0xe: {  	[smem:$0x3FB3] =	sst s6  }
0xf: {  	[smem:$0x3FB4] =	sst s7  }
0x10: {  	[smem:$0x3FB5] =	sst s8  }
0x11: {  	[smem:$0x3FB6] =	sst s9;
	s0 =	simm.s32 @!p0 $0x0  }
0x12: {  	s1 =	sld [smem:$0x3F9C];
	s0 =	simm.s32 @p0 $0x1  }
0x13: {  	[smem:$0x3FB7] =	sst s0;
	s0 =	simm.s32 @!p1 $0x0  }
0x14: {  	s2 =	sld [smem:$0x3F9B];
	s0 =	simm.s32 @p1 $0x1  }
0x15: {  	[smem:$0x3FB8] =	sst s0;
	s0 =	simm.s32 @!p2 $0x0  }
0x16: {  	s3 =	sld [smem:$0x3FDB];
	s0 =	simm.s32 @p2 $0x1  }
0x17: {  	s4 =	simm.s32 $0x1BF5;
	[smem:$0x3FBA] =	sst s0  }
0x18: {  	s0 =	sld [smem:$0x3F9D];
	_ =	swait.ge [sflag:s4], $0x0  }
0x19: {  	s7 =	sld [smem:$0x3F9E]  }
0x1a: {  	s8 =	sadd.s32 $0xFFFFE003, lr  }
0x1b: {  	s9 =	sadd.s32 $0xFFFFFEF7, lr;
	s5 =	simm.s32 $0xFFFFFFFF;
	p2 =	slt.u32 s8, $0xFFFFF086  }
0x1c: {  	p1 =	slt.u32 s9, $0xF7A;
	s5 =	simm.s32 @!p2 $0x0  }
0x1d: {  	s5 =	simm.s32 @p1 $0x1;
	p0 =	seq.s32 s7, s2  }
0x1e: {  	s7 =	smul.u32 @!p0 $0xF7A, s2;
	p2 =	seq.s32 @!p0 s5, $0x0  }
0x1f: {  	s9 =	smul.u32 $0xF7A, s1;
	s8 =	simm.s32 @!p0 $0x1BF5;
	p2 =	por !p2, p0  }
0x20: {  	[sflag:s8] =	ssyncset.s32 @!p0 $0xFFFFF086;
	s6 =	sadd.s32 @!p0 s3, s7;
	s7 =	simm.s32 @!p0 $0x108  }
0x21: {  	s3 =	sadd.s32 s3, s9;
	s6 =	sadd.s32 @!p0 $0x88, s6;
	s7 =	simm.s32 @p2 $0x1082  }
0x22: {  	[simem:s7], [sflag:s8] =	dma.local @!p0 [hbm:s6], $0xF7A  }
0x23: {  	s9 =	sor.u32 $0xD0000000, s2;
	s6 =	simm.s32 $0x108;
	_ =	swait.ge @!p0 [sflag:s8], $0x0  }
0x24: {  	s3 =	sadd.s32 $0x88, s3;
	s6 =	simm.s32 @!p1 $0x1082;
	[sflag:s4] =	ssyncset.s32 $0xFFFFF086  }
0x25: {  	[simem:s6], [sflag:s4] =	dma.local [hbm:s3], $0xF7A  }
0x26: {  	[smem:$0x3F9E] =	sst s1;
	(tag) =	ssettag s2;
	_ =	strace s9  }
0x27: {  	s1 =	sld [smem:$0x3FAE]  }
0x28: {  	s2 =	sld [smem:$0x3FAF]  }
0x29: {  	s4 =	sld [smem:$0x3FB1]  }
0x2a: {  	p0 =	seq.s32 s5, $0x0;
	s5 =	sld [smem:$0x3FB2]  }
0x2b: {  	s6 =	sld [smem:$0x3FB3]  }
0x2c: {  	s7 =	sld [smem:$0x3FB4]  }
0x2d: {  	s3 =	simm.s32 $0x108;
	s8 =	sld [smem:$0x3FB5]  }
0x2e: {  	s3 =	simm.s32 @!p0 $0x1082;
	s9 =	sld [smem:$0x3FB6]  }
0x2f: {  	lr =	sadd.s32 s0, s3;
	s0 =	sld [smem:$0x3FAD]  }
0x30: {  	s3 =	sld [smem:$0x3FB0]  }
0x31: {  	[smem:$0x3FB9] =	sst s10  }
0x32: {  	s10 =	sld [smem:$0x3FB7];
	_ =	sdelay $0x3  }
0x33: {  	p0 =	seq.s32 s10, $0x1;
	s10 =	sld [smem:$0x3FB9];
	_ =	sdelay $0x3  }
0x34: {  	[smem:$0x3FB9] =	sst s10  }
0x35: {  	s10 =	sld [smem:$0x3FB8];
	_ =	sdelay $0x3  }
0x36: {  	p1 =	seq.s32 s10, $0x1;
	s10 =	sld [smem:$0x3FB9];
	_ =	sdelay $0x3  }
0x37: {  	[smem:$0x3FB9] =	sst s10  }
0x38: {  	s10 =	sld [smem:$0x3FBA]  }
0x39: {  	_ = 	snop;
	(pc) =	sbr.ind lr, $3  }
0x3a: {  	_ = 	snop  }
0x3b: {  	_ = 	snop  }
0x3c: {  	p2 =	seq.s32 s10, $0x1;
	s10 =	sld [smem:$0x3FB9]  }
0x3d: {  	_ =	shalt  }
0x3e: {  	_ =	shalt  }
0x3f: {  	_ =	shalt  }
0x40: {  	_ =	shalt  }
0x41: {  	_ =	shalt  }
0x42: {  	_ =	shalt  }
0x43: {  	_ =	shalt  }
0x44: {  	_ =	shalt  }
0x45: {  	_ =	shalt  }
0x46: {  	_ =	shalt  }
0x47: {  	_ =	shalt  }
0x48: {  	_ =	shalt  }
0x49: {  	_ =	shalt  }
0x4a: {  	_ =	shalt  }
0x4b: {  	_ =	shalt  }
0x4c: {  	_ =	shalt  }
0x4d: {  	_ =	shalt  }
0x4e: {  	_ =	shalt  }
0x4f: {  	_ =	shalt  }
0x50: {  	_ =	shalt  }
0x51: {  	_ =	shalt  }
0x52: {  	_ =	shalt  }
0x53: {  	_ =	shalt  }
0x54: {  	_ =	shalt  }
0x55: {  	_ =	shalt  }
0x56: {  	_ =	shalt  }
0x57: {  	_ =	shalt  }
0x58: {  	_ =	shalt  }
0x59: {  	_ =	shalt  }
0x5a: {  	_ =	shalt  }
0x5b: {  	_ =	shalt  }
0x5c: {  	_ =	shalt  }
0x5d: {  	_ =	shalt  }
0x5e: {  	_ =	shalt  }
0x5f: {  	_ =	shalt  }
0x60: {  	_ =	shalt  }
0x61: {  	_ =	shalt  }
0x62: {  	_ =	shalt  }
0x63: {  	_ =	shalt  }
0x64: {  	_ =	shalt  }
0x65: {  	_ =	shalt  }
0x66: {  	_ =	shalt  }
0x67: {  	_ =	shalt  }
0x68: {  	_ =	shalt  }
0x69: {  	_ =	shalt  }
0x6a: {  	_ =	shalt  }
0x6b: {  	_ =	shalt  }
0x6c: {  	_ =	shalt  }
0x6d: {  	_ =	shalt  }
0x6e: {  	_ =	shalt  }
0x6f: {  	_ =	shalt  }
0x70: {  	_ =	shalt  }
0x71: {  	_ =	shalt  }
0x72: {  	_ =	shalt  }
0x73: {  	_ =	shalt  }
0x74: {  	_ =	shalt  }
0x75: {  	_ =	shalt  }
0x76: {  	_ =	shalt  }
0x77: {  	_ =	shalt  }
0x78: {  	_ =	shalt  }
0x79: {  	_ =	shalt  }
0x7a: {  	_ =	shalt  }
0x7b: {  	_ =	shalt  }
0x7c: {  	_ =	shalt  }
0x7d: {  	_ =	shalt  }
0x7e: {  	_ =	shalt  }
0x7f: {  	_ =	shalt  }
0x80: {  	_ =	shalt  }
0x81: {  	_ =	shalt  }
0x82: {  	_ =	shalt  }
0x83: {  	_ =	shalt  }
0x84: {  	_ =	shalt  }
0x85: {  	_ =	shalt  }
0x86: {  	_ =	shalt  }
0x87: {  	_ =	shalt  }
.Lfunc_end0:
.L_simem_size_0:
called_computation.1_lowered:
.L_overlay_start_0:
0x88: {  	s2 =	sld [smem:$0x3FD9]  }
0x89: {  	s3 =	sld [smem:$0x3FFE];
	_ =	sdelay $0x1  }
0x8a: {  	s1 =	srdreg.scid  }
0x8b: {  	s0 =	sand.u32 $0x1, s1  }
0x8c: {  	s17 =	sshll.u32 s0, $0xA;
	s2 =	sadd.s32 s3, s2  }
0x8d: {  	s2 =	sadd.s32 s2, s17  }
0x8e: {  	[smem:$0x3FC5] =	sst s2  }
0x8f: {  	_ = 	snop  }
0x90: {  	s18 =	sld [smem:$0x3FC8];
	(tm) =	ssettm $0x1  }
0x91: {  	s19 =	sld [smem:$0x3FFB];
	_ =	sdelay $0x3  }
0x92: {  	_ =	strace s19  }
0x93: {  	s2 =	sld [smem:$0x3FFC];
	_ =	sdelay $0x3  }
0x94: {  	_ =	strace s2  }
0x95: {  	s2 =	sld [smem:$0x3FFD];
	_ =	sdelay $0x3  }
0x96: {  	_ =	strace s2  }
0x97: {  	_ =	strace $0x8FFFFFFF  }
0x98: {  	s20 =	sld [smem:$0x3FDB];
	_ =	sdelay $0x1  }
0x99: {  	s4 =	simm.s32 $_scs_section_size  }
0x9a: {  	s5 =	simm.s32 $_size__tile_overlayer_lowered;
	s6 =	simm.s32 $_tile_overlayer_lowered  }
0x9b: {  	s7 =	simm.s32 $0x1BFF;
	s21 =	sshll.u32 s6, $0x1;
	s4 =	sadd.s32 s4, s20  }
0x9c: {  	s22 =	simm.s32 $0x0;
	s5 =	sshll.u32 s5, $0x1;
	s6 =	sadd.s32 s21, s4  }
0x9d: {  	[timem:s22], [sflag:s7] =	dma.local [hbm:s6], s5  }
0x9e: {  	_ =	swait.ge [sflag:s7], s5  }
0x9f: {  	s5 =	ssub.s32 $0x0, s5;
	[sflag:s7] =	ssyncset.done $0x0  }
0xa0: {  	[sflag:s7] =	ssyncadd.s32 s5;
	_ =	sdelay $0x1  }
0xa1: {  	s23 =	simm.s32 $0x1B8B  }
0xa2: {  	_ =	swait.ge [sflag:s23], $0x1  }
0xa3: {  	[sflag:s23] =	ssyncset.done $0x0  }
0xa4: {  	[sflag:s23] =	ssyncadd.s32 $0xFFFFFFFF  }
0xa5: {  	s5 =	sld [smem:$0x0]  }
0xa6: {  	s6 =	sand.u32 $0xFFFFFFFE, s1  }
0xa7: {  	p0 =	sne.s32 s1, s6  }
0xa8: {  	s6 =	sshll.u32 @p0 s6, $0xE  }
0xa9: {  	s6 =	sadd.s32 @p0 $0x11B8D, s6;
	s7 =	sshll.u32 @p0 s5, $0x11  }
0xaa: {  	s6 =	sor.u32 @p0 s7, s6  }
0xab: {  	[sflag:s6] =	ssyncadd.remote.s32 @p0 $0x1;
	_ =	sdelay $0x1  }
0xac: {  	s6 =	simm.s32 @p0 $0x1B8D  }
0xad: {  	_ =	swait.eq @p0 [sflag:s6], $0x1  }
0xae: {  	[sflag:s6] =	ssyncadd.s32 @p0 $0xFFFFFFFF  }
0xaf: {  	s7 =	sshll.u32 @!p0 s1, $0xE  }
0xb0: {  	s7 =	sor.u32 @!p0 $0x4000, s7;
	s6 =	simm.s32 @!p0 $0x1B8D  }
0xb1: {  	s5 =	sshll.u32 @!p0 s5, $0x11;
	s7 =	sadd.s32 @!p0 $0x11B8D, s7;
	_ =	swait.eq @!p0 [sflag:s6], $0x1  }
0xb2: {  	s5 =	sor.u32 @!p0 s5, s7;
	[sflag:s6] =	ssyncadd.s32 @!p0 $0xFFFFFFFF  }
0xb3: {  	s25 =	simm.s32 $0x1B8E;
	s24 =	sld [smem:$0x3FFE];
	[sflag:s5] =	ssyncadd.remote.s32 @!p0 $0x1  }
0xb4: {  	s26 =	simm.s32 $execute0_lowered;
	[smem:$0x3FD2] =	sst s25  }
0xb5: {  	s6 =	sshll.u32 s26, $0x1;
	_ =	strace $0x80000049;
	[dreg:$0x1] =	wrdreg $0xFFFFFFFF  }
0xb6: {  	s28 =	simm.s32 $_size_execute0_lowered;
	s4 =	sadd.s32 s4, s6;
	[dreg:$0x0] =	wrdreg $0x0  }
0xb7: {  	s6 =	sshll.u32 s28, $0x1;
	[dreg:$0x2] =	wrdreg s4  }
0xb8: {  	[dreg:$0x3] =	wrdreg s6  }
0xb9: {  	[dreg:$0x4] =	wrdreg $0xC0  }
0xba: {  	_ =	task [dreg:s22], $0x5FFFF  }
0xbb: {  	[dreg:$0x1] =	wrdreg $0xFFFFFFFF  }
0xbc: {  	[dreg:$0x0] =	wrdreg $0x60  }
0xbd: {  	[dreg:$0x2] =	wrdreg s24  }
0xbe: {  	[dreg:$0x3] =	wrdreg s18  }
0xbf: {  	[dreg:$0x4] =	wrdreg $0xA  }
0xc0: {  	_ =	task.clear_ibuf [dreg:s22], $0x5FFFF;
	_ =	strace $0x90000049  }
0xc1: {  	s29 =	simm.s32 $0xA;
	_ =	strace $0x8000004B  }
0xc2: {  	_ =	swait.ge [sflag:s29], $0x1  }
0xc3: {  	[sflag:s29] =	ssyncadd.s32 $0xFFFFFFFF  }
0xc4: {  	_ =	strace $0x9000004B  }
0xc5: {  	_ =	sfence  }
0xc6: {  	s30 =	sld [smem:$0x0];
	_ =	sdelay $0x2  }
0xc7: {  	s31 =	sshll.u32 s1, $0xD;
	s1 =	sshrl.u32 s1, $0x2  }
0xc8: {  	s4 =	sand.u32 $0x4000, s31;
	s1 =	sadd.s32 s1, s30  }
0xc9: {  	s0 =	sor.u32 s4, s0;
	s1 =	sshll.u32 s1, $0x11  }
0xca: {  	s0 =	sor.u32 s1, s0  }
0xcb: {  	s0 =	sadd.s32 $0x8F2B, s0  }
0xcc: {  	[sflag:s0] =	ssyncadd.remote.s32 $0x1  }
0xcd: {  	_ =	sfence.sel $0xFFFF  }
0xce: {  	[dreg:$0x0] =	wrdreg $0xFFFFFFFF;
	(pc) =	sbr.abs _section_cstart, $3  }
0xcf: {  	[dreg:$0x1] =	wrdreg $0xFFFFFFFF  }
0xd0: {  	_ =	task.clear_ibuf [dreg:s22], $0x2FFFF;
	_ =	strace $0x9FFFFFFF  }
0xd1: {  	(tm) =	ssettm $0x7FFFFFFF  }
tec
execute0_lowered:
.L_overlay_start_1:
0x0: {  	(tag) =	ssettag $0x1  }
0x1: {  	s4 =	rddreg [dreg:$0x0]  }
0x2: {  	s2 =	rddreg [dreg:$0x1]  }
0x3: {  	s0 =	rddreg [dreg:$0x2]  }
0x4: {  	s3 =	simm.s32 $0x0;
	s5 =	srdreg.scid;
	s1 =	stileid.u32  }
0x5: {  	s9 =	simm.s32 $0x880;
	s10 =	simm.s32 $0x1080;
	s11 =	simm.s32 $0x1880  }
0x6: {  	s12 =	simm.s32 $0x2080;
	s13 =	simm.s32 $0x2880;
	s14 =	simm.s32 $0x3080  }
0x7: {  	s15 =	simm.s32 $0x3880;
	s16 =	simm.s32 $0x4080;
	s17 =	simm.s32 $0x4880  }
0x8: {  	s18 =	simm.s32 $0x5080;
	s19 =	simm.s32 $0x5880;
	s20 =	simm.s32 $0x6080  }
0x9: {  	s21 =	simm.s32 $0x6880;
	s22 =	simm.s32 $0x7080;
	s23 =	simm.s32 $0x7880  }
0xa: {  	[smem:$0x7FF] =	sst s3;
	s5 =	sand.u32 $0x1, s5;
	s6 =	sshll.u32 s1, $0x1  }
0xb: {  	s24 =	simm.s32 $0x1;
	_ =	strace $0x8000004A;
	s6 =	sor.u32 s5, s6  }
0xc: {  	s5 =	ssub.s32 $0x2, s5;
	s7 =	sshll.u32 s6, $0x4;
	s6 =	sshll.u32 s6, $0xC  }
0xd: {  	v2 =	vlaneseq.u32;
	s8 =	sshrl.u32 s5, $0x1;
	s7 =	sadd.s32 s7, s4;
	s6 =	sadd.s32 s6, s4  }
0xe: {  	vm0 =	vmmov $0xffff;
	v1 =	vshrl.u32 v2, $0x3;
	s8 =	ssub.s32 s5, s8;
	s4 =	sadd.s32 $0x2E00, s7;
	s5 =	sadd.s32 $0x3000, s6  }
0xf: {  	v0 =	vand.u32 $0x7, v2;
	v2 =	vor.u32 $0x8, v2;
	v1 =	vmul.u32 $0x8, v1;
	s6 =	smax.u32 s8, $0x1;
	s7 =	simm.s32 $0x2;
	s8 =	simm.s32 $0x80  }
.LBB2_1:
0x10: {  	[tilespmem:s3], [sflag:$0x2] =	stream.linear.gather [hbm4b:s4+s3], $0x80, $0x38;
	[tilespmem:$0x8080] =	vst v63  }
0x11: {  	_ =	swait.ge [sflag:s7], $0x80  }
0x12: {  	[sflag:s7] =	ssyncset.done $0x0  }
0x13: {  	[sflag:s7] =	ssyncadd.s32 $0xFFFFFF80  }
0x14: {  	v3 =	vld [tilespmem:$0x0];
	_ =	sdelay $0x4  }
0x15: {  	v4 =	vshll.u32 v3, $0x1  }
0x16: {  	v3 =	vand.u32 $0x7, v3;
	v4 =	vand.u32 $0xFFFFFFF0, v4  }
0x17: {  	v3 =	vor.u32 v3, v4  }
0x18: {  	v4 =	vperm.xlane v3, v0;
	_ =	sdelay $0x1  }
0x19: {  	v3 =	vperm.xlane v3, v2;
	v4 =	vadd.s32 v1, v4;
	_ =	sdelay $0x1  }
0x1a: {  	v3 =	vadd.s32 v1, v3;
	_ =	sdelay $0x2  }
0x1b: {  	[tilespmem:s8], [sflag:$0x1] =	stream.indirect_vreg.gather [hbm4b:s2+s3], $0x80, v4, vm0, $0xb8;
	[tilespmem:$0x8080] =	vst v63  }
0x1c: {  	_ = 	snop  }
0x1d: {  	[tilespmem:s9], [sflag:$0x1] =	stream.indirect_vreg.gather [hbm4b:s2+s3], $0x80, v3, vm0, $0xb8;
	[tilespmem:$0x8080] =	vst v63  }
0x1e: {  	v3 =	vld [tilespmem:$0x10];
	_ =	sdelay $0x4  }
0x1f: {  	v57 =	vshll.u32 v3, $0x1  }
0x20: {  	v3 =	vand.u32 $0x7, v3;
	v4 =	vand.u32 $0xFFFFFFF0, v57  }
0x21: {  	v3 =	vor.u32 v3, v4  }
0x22: {  	v4 =	vperm.xlane v3, v0;
	_ =	sdelay $0x1  }
0x23: {  	v3 =	vperm.xlane v3, v2;
	v4 =	vadd.s32 v1, v4;
	_ =	sdelay $0x1  }
0x24: {  	v3 =	vadd.s32 v1, v3;
	_ =	sdelay $0x2  }
0x25: {  	[tilespmem:s10], [sflag:$0x1] =	stream.indirect_vreg.gather [hbm4b:s2+s3], $0x80, v4, vm0, $0xb8;
	[tilespmem:$0x8080] =	vst v63  }
0x26: {  	_ = 	snop  }
0x27: {  	[tilespmem:s11], [sflag:$0x1] =	stream.indirect_vreg.gather [hbm4b:s2+s3], $0x80, v3, vm0, $0xb8;
	[tilespmem:$0x8080] =	vst v63  }
0x28: {  	v3 =	vld [tilespmem:$0x20];
	_ =	sdelay $0x4  }
0x29: {  	v58 =	vshll.u32 v3, $0x1  }
0x2a: {  	v3 =	vand.u32 $0x7, v3;
	v4 =	vand.u32 $0xFFFFFFF0, v58  }
0x2b: {  	v3 =	vor.u32 v3, v4  }
0x2c: {  	v4 =	vperm.xlane v3, v0;
	_ =	sdelay $0x1  }
0x2d: {  	v3 =	vperm.xlane v3, v2;
	v4 =	vadd.s32 v1, v4;
	_ =	sdelay $0x1  }
0x2e: {  	v3 =	vadd.s32 v1, v3;
	_ =	sdelay $0x2  }
0x2f: {  	[tilespmem:s12], [sflag:$0x1] =	stream.indirect_vreg.gather [hbm4b:s2+s3], $0x80, v4, vm0, $0xb8;
	[tilespmem:$0x8080] =	vst v63  }
0x30: {  	_ = 	snop  }
0x31: {  	[tilespmem:s13], [sflag:$0x1] =	stream.indirect_vreg.gather [hbm4b:s2+s3], $0x80, v3, vm0, $0xb8;
	[tilespmem:$0x8080] =	vst v63  }
0x32: {  	v3 =	vld [tilespmem:$0x30];
	_ =	sdelay $0x4  }
0x33: {  	v59 =	vshll.u32 v3, $0x1  }
0x34: {  	v3 =	vand.u32 $0x7, v3;
	v4 =	vand.u32 $0xFFFFFFF0, v59  }
0x35: {  	v3 =	vor.u32 v3, v4  }
0x36: {  	v4 =	vperm.xlane v3, v0;
	_ =	sdelay $0x1  }
0x37: {  	v3 =	vperm.xlane v3, v2;
	v4 =	vadd.s32 v1, v4;
	_ =	sdelay $0x1  }
0x38: {  	v3 =	vadd.s32 v1, v3;
	_ =	sdelay $0x2  }
0x39: {  	[tilespmem:s14], [sflag:$0x1] =	stream.indirect_vreg.gather [hbm4b:s2+s3], $0x80, v4, vm0, $0xb8;
	[tilespmem:$0x8080] =	vst v63  }
0x3a: {  	_ = 	snop  }
0x3b: {  	[tilespmem:s15], [sflag:$0x1] =	stream.indirect_vreg.gather [hbm4b:s2+s3], $0x80, v3, vm0, $0xb8;
	[tilespmem:$0x8080] =	vst v63  }
0x3c: {  	v3 =	vld [tilespmem:$0x40];
	_ =	sdelay $0x4  }
0x3d: {  	v60 =	vshll.u32 v3, $0x1  }
0x3e: {  	v3 =	vand.u32 $0x7, v3;
	v4 =	vand.u32 $0xFFFFFFF0, v60  }
0x3f: {  	v3 =	vor.u32 v3, v4  }
0x40: {  	v4 =	vperm.xlane v3, v0;
	_ =	sdelay $0x1  }
0x41: {  	v3 =	vperm.xlane v3, v2;
	v4 =	vadd.s32 v1, v4;
	_ =	sdelay $0x1  }
0x42: {  	v3 =	vadd.s32 v1, v3;
	_ =	sdelay $0x2  }
0x43: {  	[tilespmem:s16], [sflag:$0x1] =	stream.indirect_vreg.gather [hbm4b:s2+s3], $0x80, v4, vm0, $0xb8;
	[tilespmem:$0x8080] =	vst v63  }
0x44: {  	_ = 	snop  }
0x45: {  	[tilespmem:s17], [sflag:$0x1] =	stream.indirect_vreg.gather [hbm4b:s2+s3], $0x80, v3, vm0, $0xb8;
	[tilespmem:$0x8080] =	vst v63  }
0x46: {  	v3 =	vld [tilespmem:$0x50];
	_ =	sdelay $0x4  }
0x47: {  	v61 =	vshll.u32 v3, $0x1  }
0x48: {  	v3 =	vand.u32 $0x7, v3;
	v4 =	vand.u32 $0xFFFFFFF0, v61  }
0x49: {  	v3 =	vor.u32 v3, v4  }
0x4a: {  	v4 =	vperm.xlane v3, v0;
	_ =	sdelay $0x1  }
0x4b: {  	v3 =	vperm.xlane v3, v2;
	v4 =	vadd.s32 v1, v4;
	_ =	sdelay $0x1  }
0x4c: {  	v3 =	vadd.s32 v1, v3;
	_ =	sdelay $0x2  }
0x4d: {  	[tilespmem:s18], [sflag:$0x1] =	stream.indirect_vreg.gather [hbm4b:s2+s3], $0x80, v4, vm0, $0xb8;
	[tilespmem:$0x8080] =	vst v63  }
0x4e: {  	_ = 	snop  }
0x4f: {  	[tilespmem:s19], [sflag:$0x1] =	stream.indirect_vreg.gather [hbm4b:s2+s3], $0x80, v3, vm0, $0xb8;
	[tilespmem:$0x8080] =	vst v63  }
0x50: {  	v3 =	vld [tilespmem:$0x60];
	_ =	sdelay $0x4  }
0x51: {  	v62 =	vshll.u32 v3, $0x1  }
0x52: {  	v3 =	vand.u32 $0x7, v3;
	v4 =	vand.u32 $0xFFFFFFF0, v62  }
0x53: {  	v3 =	vor.u32 v3, v4  }
0x54: {  	v4 =	vperm.xlane v3, v0;
	_ =	sdelay $0x1  }
0x55: {  	v3 =	vperm.xlane v3, v2;
	v4 =	vadd.s32 v1, v4;
	_ =	sdelay $0x1  }
0x56: {  	v3 =	vadd.s32 v1, v3;
	_ =	sdelay $0x2  }
0x57: {  	[tilespmem:s20], [sflag:$0x1] =	stream.indirect_vreg.gather [hbm4b:s2+s3], $0x80, v4, vm0, $0xb8;
	[tilespmem:$0x8080] =	vst v63  }
0x58: {  	_ = 	snop  }
0x59: {  	[tilespmem:s21], [sflag:$0x1] =	stream.indirect_vreg.gather [hbm4b:s2+s3], $0x80, v3, vm0, $0xb8;
	[tilespmem:$0x8080] =	vst v63  }
0x5a: {  	v3 =	vld [tilespmem:$0x70];
	_ =	sdelay $0x4  }
0x5b: {  	v63 =	vshll.u32 v3, $0x1  }
0x5c: {  	v3 =	vand.u32 $0x7, v3;
	v4 =	vand.u32 $0xFFFFFFF0, v63  }
0x5d: {  	v3 =	vor.u32 v3, v4  }
0x5e: {  	v4 =	vperm.xlane v3, v0;
	_ =	sdelay $0x1  }
0x5f: {  	v3 =	vperm.xlane v3, v2;
	v4 =	vadd.s32 v1, v4;
	_ =	sdelay $0x1  }
0x60: {  	v3 =	vadd.s32 v1, v3;
	_ =	sdelay $0x2  }
0x61: {  	[tilespmem:s22], [sflag:$0x1] =	stream.indirect_vreg.gather [hbm4b:s2+s3], $0x80, v4, vm0, $0xb8;
	[tilespmem:$0x8080] =	vst v63  }
0x62: {  	_ = 	snop  }
0x63: {  	[tilespmem:s23], [sflag:$0x1] =	stream.indirect_vreg.gather [hbm4b:s2+s3], $0x80, v3, vm0, $0xb8;
	[tilespmem:$0x8080] =	vst v63  }
0x64: {  	_ =	swait.ge [sflag:s24], $0x8000  }
0x65: {  	p0 =	sne.s32 s6, $0x1;
	[sflag:s24] =	ssyncset.done $0x0  }
.Ltmp0:
0x66: {  	[sflag:s24] =	ssyncadd.s32 $0xFFFF8000;
	(pc) =	sbr.rel @p0 .LBB2_1-.Ltmp0, $4  }
0x67: {  	[hbm4b:s5+s3] =	stream.linear.scatter [tilespmem:s8], [sflag:$0x2], $0x8000, $0x38;
	[tilespmem:$0x8080] =	vst v63  }
0x68: {  	_ =	swait.ge [sflag:s7], $0x8000  }
0x69: {  	[sflag:s7] =	ssyncset.done $0x0  }
0x6a: {  	s6 =	sadd.s32 $0xFFFFFFFF, s6;
	[sflag:s7] =	ssyncadd.s32 $0xFFFF8000  }
0x6b: {  	_ =	sfence.sel $0x180000  }
0x6c: {  	[bflag:$0x0] =	sbarrier.arrive $0xFFFF  }
0x6d: {  	p0 =	sne.s32 s1, $0x0;
	_ =	strace $0x9000004A  }
0x6e: {  	s0 =	sadd.s32 @!p0 $0x100000, s0;
	[bflag:$0x2] =	sbarrier.arrive $0xFFFF  }
0x6f: {  	[sflag:s0] =	ssyncadd.tile.s32 @!p0 $0x1;
	_ =	shalt  }
.Lfunc_end2:
_tile_overlayer_lowered:
.L_overlay_start_2:
0x70: {  	(tag) =	ssettag $0x2  }
0x71: {  	s0 =	rddreg [dreg:$0x0];
	s2 =	stileid.u32  }
0x72: {  	s1 =	rddreg [dreg:$0x1];
	p0 =	sne.s32 s2, $0x0  }
0x73: {  	s3 =	rddreg [dreg:$0x2];
	[bflag:$0x3] =	sbarrier.arrive $0xFFFF;
	s2 =	simm.s32 @!p0 $0x1C02  }
0x74: {  	[timem:s3], [sflag:s2] =	dma.local @!p0 [hbm:s0], s1  }
0x75: {  	s0 =	simm.s32 @!p0 $0x2  }
0x76: {  	_ =	swait.ge @!p0 [sflag:s0], s1  }
0x77: {  	s1 =	ssub.s32 @!p0 $0x0, s1;
	[sflag:s0] =	ssyncset.done @!p0 $0x0  }
0x78: {  	[sflag:s0] =	ssyncadd.s32 @!p0 s1  }
0x79: {  	[bflag:$0x3] =	sbarrier.arrive $0xFFFF  }
0x7a: {  	_ =	shalt  }

// kernel: kernel.8.cloned.1.call-start
scs
__scs_entry_jumppad:
0x0: {  	(pc) =	sbr.rel $0x88, $3  }
0x1: {  	(tag) =	ssettag $0x0;
	lr =	simm.s32 $0x1  }
0x2: {  	[smem:$0x3F9E] =	sst lr;
	_ =	strace $0xD0000000  }
0x3: {  	_ = 	snop  }
0x4: {  	_ = 	snop  }
0x5: {  	_ = 	snop  }
0x6: {  	_ = 	snop  }
0x7: {  	_ = 	snop  }
__scs_overlays_trampoline_lowered:
0x8: {  	[smem:$0x3FAD] =	sst s0  }
0x9: {  	[smem:$0x3FAE] =	sst s1  }
0xa: {  	[smem:$0x3FAF] =	sst s2  }
0xb: {  	[smem:$0x3FB0] =	sst s3  }
0xc: {  	[smem:$0x3FB1] =	sst s4  }
0xd: {  	[smem:$0x3FB2] =	sst s5  }
0xe: {  	[smem:$0x3FB3] =	sst s6  }
0xf: {  	[smem:$0x3FB4] =	sst s7  }
0x10: {  	[smem:$0x3FB5] =	sst s8  }
0x11: {  	[smem:$0x3FB6] =	sst s9;
	s0 =	simm.s32 @!p0 $0x0  }
0x12: {  	s1 =	sld [smem:$0x3F9C];
	s0 =	simm.s32 @p0 $0x1  }
0x13: {  	[smem:$0x3FB7] =	sst s0;
	s0 =	simm.s32 @!p1 $0x0  }
0x14: {  	s2 =	sld [smem:$0x3F9B];
	s0 =	simm.s32 @p1 $0x1  }
0x15: {  	[smem:$0x3FB8] =	sst s0;
	s0 =	simm.s32 @!p2 $0x0  }
0x16: {  	s3 =	sld [smem:$0x3FDB];
	s0 =	simm.s32 @p2 $0x1  }
0x17: {  	s4 =	simm.s32 $0x1BF5;
	[smem:$0x3FBA] =	sst s0  }
0x18: {  	s0 =	sld [smem:$0x3F9D];
	_ =	swait.ge [sflag:s4], $0x0  }
0x19: {  	s7 =	sld [smem:$0x3F9E]  }
0x1a: {  	s8 =	sadd.s32 $0xFFFFE003, lr  }
0x1b: {  	s9 =	sadd.s32 $0xFFFFFEF7, lr;
	s5 =	simm.s32 $0xFFFFFFFF;
	p2 =	slt.u32 s8, $0xFFFFF086  }
0x1c: {  	p1 =	slt.u32 s9, $0xF7A;
	s5 =	simm.s32 @!p2 $0x0  }
0x1d: {  	s5 =	simm.s32 @p1 $0x1;
	p0 =	seq.s32 s7, s2  }
0x1e: {  	s7 =	smul.u32 @!p0 $0xF7A, s2;
	p2 =	seq.s32 @!p0 s5, $0x0  }
0x1f: {  	s9 =	smul.u32 $0xF7A, s1;
	s8 =	simm.s32 @!p0 $0x1BF5;
	p2 =	por !p2, p0  }
0x20: {  	[sflag:s8] =	ssyncset.s32 @!p0 $0xFFFFF086;
	s6 =	sadd.s32 @!p0 s3, s7;
	s7 =	simm.s32 @!p0 $0x108  }
0x21: {  	s3 =	sadd.s32 s3, s9;
	s6 =	sadd.s32 @!p0 $0x88, s6;
	s7 =	simm.s32 @p2 $0x1082  }
0x22: {  	[simem:s7], [sflag:s8] =	dma.local @!p0 [hbm:s6], $0xF7A  }
0x23: {  	s9 =	sor.u32 $0xD0000000, s2;
	s6 =	simm.s32 $0x108;
	_ =	swait.ge @!p0 [sflag:s8], $0x0  }
0x24: {  	s3 =	sadd.s32 $0x88, s3;
	s6 =	simm.s32 @!p1 $0x1082;
	[sflag:s4] =	ssyncset.s32 $0xFFFFF086  }
0x25: {  	[simem:s6], [sflag:s4] =	dma.local [hbm:s3], $0xF7A  }
0x26: {  	[smem:$0x3F9E] =	sst s1;
	(tag) =	ssettag s2;
	_ =	strace s9  }
0x27: {  	s1 =	sld [smem:$0x3FAE]  }
0x28: {  	s2 =	sld [smem:$0x3FAF]  }
0x29: {  	s4 =	sld [smem:$0x3FB1]  }
0x2a: {  	p0 =	seq.s32 s5, $0x0;
	s5 =	sld [smem:$0x3FB2]  }
0x2b: {  	s6 =	sld [smem:$0x3FB3]  }
0x2c: {  	s7 =	sld [smem:$0x3FB4]  }
0x2d: {  	s3 =	simm.s32 $0x108;
	s8 =	sld [smem:$0x3FB5]  }
0x2e: {  	s3 =	simm.s32 @!p0 $0x1082;
	s9 =	sld [smem:$0x3FB6]  }
0x2f: {  	lr =	sadd.s32 s0, s3;
	s0 =	sld [smem:$0x3FAD]  }
0x30: {  	s3 =	sld [smem:$0x3FB0]  }
0x31: {  	[smem:$0x3FB9] =	sst s10  }
0x32: {  	s10 =	sld [smem:$0x3FB7];
	_ =	sdelay $0x3  }
0x33: {  	p0 =	seq.s32 s10, $0x1;
	s10 =	sld [smem:$0x3FB9];
	_ =	sdelay $0x3  }
0x34: {  	[smem:$0x3FB9] =	sst s10  }
0x35: {  	s10 =	sld [smem:$0x3FB8];
	_ =	sdelay $0x3  }
0x36: {  	p1 =	seq.s32 s10, $0x1;
	s10 =	sld [smem:$0x3FB9];
	_ =	sdelay $0x3  }
0x37: {  	[smem:$0x3FB9] =	sst s10  }
0x38: {  	s10 =	sld [smem:$0x3FBA]  }
0x39: {  	_ = 	snop;
	(pc) =	sbr.ind lr, $3  }
0x3a: {  	_ = 	snop  }
0x3b: {  	_ = 	snop  }
0x3c: {  	p2 =	seq.s32 s10, $0x1;
	s10 =	sld [smem:$0x3FB9]  }
0x3d: {  	_ =	shalt  }
0x3e: {  	_ =	shalt  }
0x3f: {  	_ =	shalt  }
0x40: {  	_ =	shalt  }
0x41: {  	_ =	shalt  }
0x42: {  	_ =	shalt  }
0x43: {  	_ =	shalt  }
0x44: {  	_ =	shalt  }
0x45: {  	_ =	shalt  }
0x46: {  	_ =	shalt  }
0x47: {  	_ =	shalt  }
0x48: {  	_ =	shalt  }
0x49: {  	_ =	shalt  }
0x4a: {  	_ =	shalt  }
0x4b: {  	_ =	shalt  }
0x4c: {  	_ =	shalt  }
0x4d: {  	_ =	shalt  }
0x4e: {  	_ =	shalt  }
0x4f: {  	_ =	shalt  }
0x50: {  	_ =	shalt  }
0x51: {  	_ =	shalt  }
0x52: {  	_ =	shalt  }
0x53: {  	_ =	shalt  }
0x54: {  	_ =	shalt  }
0x55: {  	_ =	shalt  }
0x56: {  	_ =	shalt  }
0x57: {  	_ =	shalt  }
0x58: {  	_ =	shalt  }
0x59: {  	_ =	shalt  }
0x5a: {  	_ =	shalt  }
0x5b: {  	_ =	shalt  }
0x5c: {  	_ =	shalt  }
0x5d: {  	_ =	shalt  }
0x5e: {  	_ =	shalt  }
0x5f: {  	_ =	shalt  }
0x60: {  	_ =	shalt  }
0x61: {  	_ =	shalt  }
0x62: {  	_ =	shalt  }
0x63: {  	_ =	shalt  }
0x64: {  	_ =	shalt  }
0x65: {  	_ =	shalt  }
0x66: {  	_ =	shalt  }
0x67: {  	_ =	shalt  }
0x68: {  	_ =	shalt  }
0x69: {  	_ =	shalt  }
0x6a: {  	_ =	shalt  }
0x6b: {  	_ =	shalt  }
0x6c: {  	_ =	shalt  }
0x6d: {  	_ =	shalt  }
0x6e: {  	_ =	shalt  }
0x6f: {  	_ =	shalt  }
0x70: {  	_ =	shalt  }
0x71: {  	_ =	shalt  }
0x72: {  	_ =	shalt  }
0x73: {  	_ =	shalt  }
0x74: {  	_ =	shalt  }
0x75: {  	_ =	shalt  }
0x76: {  	_ =	shalt  }
0x77: {  	_ =	shalt  }
0x78: {  	_ =	shalt  }
0x79: {  	_ =	shalt  }
0x7a: {  	_ =	shalt  }
0x7b: {  	_ =	shalt  }
0x7c: {  	_ =	shalt  }
0x7d: {  	_ =	shalt  }
0x7e: {  	_ =	shalt  }
0x7f: {  	_ =	shalt  }
0x80: {  	_ =	shalt  }
0x81: {  	_ =	shalt  }
0x82: {  	_ =	shalt  }
0x83: {  	_ =	shalt  }
0x84: {  	_ =	shalt  }
0x85: {  	_ =	shalt  }
0x86: {  	_ =	shalt  }
0x87: {  	_ =	shalt  }
.Lfunc_end0:
.L_simem_size_0:
called_computation_lowered:
.L_overlay_start_0:
0x88: {  	s2 =	sld [smem:$0x3FD9]  }
0x89: {  	s3 =	sld [smem:$0x3FFE];
	_ =	sdelay $0x1  }
0x8a: {  	s1 =	srdreg.scid  }
0x8b: {  	s0 =	sand.u32 $0x1, s1  }
0x8c: {  	s15 =	sshll.u32 s0, $0xA;
	s2 =	sadd.s32 s3, s2  }
0x8d: {  	s2 =	sadd.s32 s2, s15  }
0x8e: {  	[smem:$0x3FC5] =	sst s2  }
0x8f: {  	_ = 	snop  }
0x90: {  	s2 =	sld [smem:$0x3FD0];
	_ =	sdelay $0x2  }
0x91: {  	s4 =	simm.s32 $0xB;
	s5 =	simm.s32 $0x10;
	s16 =	sld [smem:$0x3FC8]  }
0x92: {  	[smem:s5], [sflag:s4] =	dma.local [hbm:s2], $0x1  }
0x93: {  	_ =	swait.eq [sflag:s4], $0x1  }
0x94: {  	[sflag:s4] =	ssyncset.done $0x0  }
0x95: {  	s17 =	sld [smem:$0x10];
	[sflag:s4] =	ssyncadd.s32 $0xFFFFFFFF  }
0x96: {  	s18 =	sld [smem:$0x12];
	(tm) =	ssettm $0x1  }
0x97: {  	s19 =	sld [smem:$0x3FFB];
	_ =	sdelay $0x3  }
0x98: {  	_ =	strace s19  }
0x99: {  	s5 =	sld [smem:$0x3FFC];
	_ =	sdelay $0x3  }
0x9a: {  	_ =	strace s5  }
0x9b: {  	s5 =	sld [smem:$0x3FFD];
	_ =	sdelay $0x3  }
0x9c: {  	_ =	strace s5  }
0x9d: {  	_ =	strace $0x8FFFFFFF  }
0x9e: {  	s20 =	sld [smem:$0x3FDB];
	_ =	sdelay $0x1  }
0x9f: {  	s6 =	simm.s32 $_scs_section_size  }
0xa0: {  	s7 =	simm.s32 $_size__tile_overlayer_lowered;
	s8 =	simm.s32 $_tile_overlayer_lowered  }
0xa1: {  	s23 =	simm.s32 $0x1BFF;
	s22 =	sshll.u32 s8, $0x1;
	s5 =	sadd.s32 s6, s20  }
0xa2: {  	s9 =	simm.s32 $0x0;
	s21 =	sshll.u32 s7, $0x1;
	s7 =	sadd.s32 s22, s5  }
0xa3: {  	[timem:s9], [sflag:s23] =	dma.local [hbm:s7], s21  }
0xa4: {  	_ =	swait.ge [sflag:s23], s21  }
0xa5: {  	s6 =	ssub.s32 $0x0, s21;
	[sflag:s23] =	ssyncset.done $0x0  }
0xa6: {  	[sflag:s23] =	ssyncadd.s32 s6;
	_ =	sdelay $0x1  }
0xa7: {  	s24 =	simm.s32 $0x1B8B  }
0xa8: {  	_ =	swait.ge [sflag:s24], $0x1  }
0xa9: {  	[sflag:s24] =	ssyncset.done $0x0  }
0xaa: {  	s25 =	simm.s32 $0x1B8E;
	[sflag:s24] =	ssyncadd.s32 $0xFFFFFFFF  }
0xab: {  	s26 =	simm.s32 $execute0_lowered;
	[smem:$0x3FD2] =	sst s25  }
0xac: {  	s6 =	sshll.u32 s26, $0x1;
	_ =	strace $0x80000046;
	[dreg:$0x1] =	wrdreg $0xFFFFFFFF  }
0xad: {  	s28 =	simm.s32 $_size_execute0_lowered;
	s5 =	sadd.s32 s5, s6;
	[dreg:$0x0] =	wrdreg $0x0  }
0xae: {  	s6 =	sshll.u32 s28, $0x1;
	[dreg:$0x2] =	wrdreg s5  }
0xaf: {  	[dreg:$0x3] =	wrdreg s6  }
0xb0: {  	[dreg:$0x4] =	wrdreg $0xC0  }
0xb1: {  	_ =	task [dreg:s9], $0x5FFFF  }
0xb2: {  	[dreg:$0x1] =	wrdreg $0xFFFFFFFF  }
0xb3: {  	[dreg:$0x0] =	wrdreg $0x60  }
0xb4: {  	[dreg:$0x2] =	wrdreg s18  }
0xb5: {  	[dreg:$0x3] =	wrdreg s16  }
0xb6: {  	[dreg:$0x4] =	wrdreg s17  }
0xb7: {  	[dreg:$0x5] =	wrdreg $0x9  }
0xb8: {  	_ =	task.clear_ibuf [dreg:s9], $0x6FFFF;
	_ =	strace $0x90000046  }
0xb9: {  	s29 =	simm.s32 $0x9;
	_ =	strace $0x80000048  }
0xba: {  	_ =	swait.ge [sflag:s29], $0x1  }
0xbb: {  	[sflag:s29] =	ssyncadd.s32 $0xFFFFFFFF  }
0xbc: {  	_ =	strace $0x90000048  }
0xbd: {  	_ =	sfence  }
0xbe: {  	s30 =	sld [smem:$0x0];
	_ =	sdelay $0x2  }
0xbf: {  	s31 =	sshll.u32 s1, $0xD;
	s1 =	sshrl.u32 s1, $0x2  }
0xc0: {  	s3 =	sand.u32 $0x4000, s31;
	s1 =	sadd.s32 s1, s30  }
0xc1: {  	s0 =	sor.u32 s3, s0;
	s1 =	sshll.u32 s1, $0x11  }
0xc2: {  	s0 =	sor.u32 s1, s0  }
0xc3: {  	s0 =	sadd.s32 $0x8F2B, s0  }
0xc4: {  	[sflag:s0] =	ssyncadd.remote.s32 $0x1  }
0xc5: {  	_ =	sfence.sel $0xFFFF  }
0xc6: {  	[dreg:$0x0] =	wrdreg $0xFFFFFFFF;
	(pc) =	sbr.abs _section_cstart, $3  }
0xc7: {  	[dreg:$0x1] =	wrdreg $0xFFFFFFFF  }
0xc8: {  	_ =	task.clear_ibuf [dreg:s9], $0x2FFFF;
	_ =	strace $0x9FFFFFFF  }
0xc9: {  	(tm) =	ssettm $0x7FFFFFFF  }
tec
execute0_lowered:
.L_overlay_start_1:
0x0: {  	(tag) =	ssettag $0x1  }
0x1: {  	s4 =	rddreg [dreg:$0x0]  }
0x2: {  	s1 =	rddreg [dreg:$0x1]  }
0x3: {  	s5 =	rddreg [dreg:$0x2]  }
0x4: {  	s0 =	rddreg [dreg:$0x3];
	s6 =	srdreg.scid  }
0x5: {  	s3 =	simm.s32 $0x0;
	s2 =	stileid.u32;
	s10 =	simm.s32 $0x1080  }
0x6: {  	s11 =	simm.s32 $0x1880;
	s12 =	simm.s32 $0x2080;
	s13 =	simm.s32 $0x2880  }
0x7: {  	s14 =	simm.s32 $0x3080;
	s15 =	simm.s32 $0x3880;
	s16 =	simm.s32 $0x4080  }
0x8: {  	s17 =	simm.s32 $0x4880;
	s18 =	simm.s32 $0x5080;
	s19 =	simm.s32 $0x5880  }
0x9: {  	s20 =	simm.s32 $0x6080;
	s21 =	simm.s32 $0x6880;
	s22 =	simm.s32 $0x7080  }
0xa: {  	s23 =	simm.s32 $0x7880;
	s24 =	simm.s32 $0x1;
	s6 =	sand.u32 $0x1, s6  }
0xb: {  	[smem:$0x7FF] =	sst s3;
	s8 =	sshll.u32 s2, $0x1;
	s7 =	ssub.s32 $0x2, s6  }
0xc: {  	_ =	strace $0x80000047;
	s6 =	sor.u32 s6, s8;
	s9 =	sshrl.u32 s7, $0x1  }
0xd: {  	v2 =	vlaneseq.u32;
	s8 =	sshll.u32 s6, $0x4;
	s6 =	sshll.u32 s6, $0xC;
	s7 =	ssub.s32 s7, s9  }
0xe: {  	vm0 =	vmmov $0xffff;
	v1 =	vshrl.u32 v2, $0x3;
	s4 =	sadd.s32 s4, s8;
	s5 =	sadd.s32 s5, s6;
	s8 =	simm.s32 $0x80  }
0xf: {  	v0 =	vand.u32 $0x7, v2;
	v2 =	vor.u32 $0x8, v2;
	v1 =	vmul.u32 $0x8, v1;
	s9 =	simm.s32 $0x880;
	s6 =	smax.u32 s7, $0x1;
	s7 =	simm.s32 $0x2  }
.LBB2_1:
0x10: {  	[tilespmem:s3], [sflag:$0x2] =	stream.linear.gather [hbm4b:s4+s3], $0x80, $0x38;
	[tilespmem:$0x8080] =	vst v63  }
0x11: {  	_ =	swait.ge [sflag:s7], $0x80  }
0x12: {  	[sflag:s7] =	ssyncset.done $0x0  }
0x13: {  	[sflag:s7] =	ssyncadd.s32 $0xFFFFFF80  }
0x14: {  	v3 =	vld [tilespmem:$0x0];
	_ =	sdelay $0x4  }
0x15: {  	v4 =	vshll.u32 v3, $0x1  }
0x16: {  	v3 =	vand.u32 $0x7, v3;
	v4 =	vand.u32 $0xFFFFFFF0, v4  }
0x17: {  	v3 =	vor.u32 v3, v4  }
0x18: {  	v4 =	vperm.xlane v3, v0;
	_ =	sdelay $0x1  }
0x19: {  	v3 =	vperm.xlane v3, v2;
	v4 =	vadd.s32 v1, v4;
	_ =	sdelay $0x1  }
0x1a: {  	v3 =	vadd.s32 v1, v3;
	_ =	sdelay $0x2  }
0x1b: {  	[tilespmem:s8], [sflag:$0x1] =	stream.indirect_vreg.gather [hbm4b:s1+s3], $0x80, v4, vm0, $0xb8;
	[tilespmem:$0x8080] =	vst v63  }
0x1c: {  	_ = 	snop  }
0x1d: {  	[tilespmem:s9], [sflag:$0x1] =	stream.indirect_vreg.gather [hbm4b:s1+s3], $0x80, v3, vm0, $0xb8;
	[tilespmem:$0x8080] =	vst v63  }
0x1e: {  	v3 =	vld [tilespmem:$0x10];
	_ =	sdelay $0x4  }
0x1f: {  	v57 =	vshll.u32 v3, $0x1  }
0x20: {  	v3 =	vand.u32 $0x7, v3;
	v4 =	vand.u32 $0xFFFFFFF0, v57  }
0x21: {  	v3 =	vor.u32 v3, v4  }
0x22: {  	v4 =	vperm.xlane v3, v0;
	_ =	sdelay $0x1  }
0x23: {  	v3 =	vperm.xlane v3, v2;
	v4 =	vadd.s32 v1, v4;
	_ =	sdelay $0x1  }
0x24: {  	v3 =	vadd.s32 v1, v3;
	_ =	sdelay $0x2  }
0x25: {  	[tilespmem:s10], [sflag:$0x1] =	stream.indirect_vreg.gather [hbm4b:s1+s3], $0x80, v4, vm0, $0xb8;
	[tilespmem:$0x8080] =	vst v63  }
0x26: {  	_ = 	snop  }
0x27: {  	[tilespmem:s11], [sflag:$0x1] =	stream.indirect_vreg.gather [hbm4b:s1+s3], $0x80, v3, vm0, $0xb8;
	[tilespmem:$0x8080] =	vst v63  }
0x28: {  	v3 =	vld [tilespmem:$0x20];
	_ =	sdelay $0x4  }
0x29: {  	v58 =	vshll.u32 v3, $0x1  }
0x2a: {  	v3 =	vand.u32 $0x7, v3;
	v4 =	vand.u32 $0xFFFFFFF0, v58  }
0x2b: {  	v3 =	vor.u32 v3, v4  }
0x2c: {  	v4 =	vperm.xlane v3, v0;
	_ =	sdelay $0x1  }
0x2d: {  	v3 =	vperm.xlane v3, v2;
	v4 =	vadd.s32 v1, v4;
	_ =	sdelay $0x1  }
0x2e: {  	v3 =	vadd.s32 v1, v3;
	_ =	sdelay $0x2  }
0x2f: {  	[tilespmem:s12], [sflag:$0x1] =	stream.indirect_vreg.gather [hbm4b:s1+s3], $0x80, v4, vm0, $0xb8;
	[tilespmem:$0x8080] =	vst v63  }
0x30: {  	_ = 	snop  }
0x31: {  	[tilespmem:s13], [sflag:$0x1] =	stream.indirect_vreg.gather [hbm4b:s1+s3], $0x80, v3, vm0, $0xb8;
	[tilespmem:$0x8080] =	vst v63  }
0x32: {  	v3 =	vld [tilespmem:$0x30];
	_ =	sdelay $0x4  }
0x33: {  	v59 =	vshll.u32 v3, $0x1  }
0x34: {  	v3 =	vand.u32 $0x7, v3;
	v4 =	vand.u32 $0xFFFFFFF0, v59  }
0x35: {  	v3 =	vor.u32 v3, v4  }
0x36: {  	v4 =	vperm.xlane v3, v0;
	_ =	sdelay $0x1  }
0x37: {  	v3 =	vperm.xlane v3, v2;
	v4 =	vadd.s32 v1, v4;
	_ =	sdelay $0x1  }
0x38: {  	v3 =	vadd.s32 v1, v3;
	_ =	sdelay $0x2  }
0x39: {  	[tilespmem:s14], [sflag:$0x1] =	stream.indirect_vreg.gather [hbm4b:s1+s3], $0x80, v4, vm0, $0xb8;
	[tilespmem:$0x8080] =	vst v63  }
0x3a: {  	_ = 	snop  }
0x3b: {  	[tilespmem:s15], [sflag:$0x1] =	stream.indirect_vreg.gather [hbm4b:s1+s3], $0x80, v3, vm0, $0xb8;
	[tilespmem:$0x8080] =	vst v63  }
0x3c: {  	v3 =	vld [tilespmem:$0x40];
	_ =	sdelay $0x4  }
0x3d: {  	v60 =	vshll.u32 v3, $0x1  }
0x3e: {  	v3 =	vand.u32 $0x7, v3;
	v4 =	vand.u32 $0xFFFFFFF0, v60  }
0x3f: {  	v3 =	vor.u32 v3, v4  }
0x40: {  	v4 =	vperm.xlane v3, v0;
	_ =	sdelay $0x1  }
0x41: {  	v3 =	vperm.xlane v3, v2;
	v4 =	vadd.s32 v1, v4;
	_ =	sdelay $0x1  }
0x42: {  	v3 =	vadd.s32 v1, v3;
	_ =	sdelay $0x2  }
0x43: {  	[tilespmem:s16], [sflag:$0x1] =	stream.indirect_vreg.gather [hbm4b:s1+s3], $0x80, v4, vm0, $0xb8;
	[tilespmem:$0x8080] =	vst v63  }
0x44: {  	_ = 	snop  }
0x45: {  	[tilespmem:s17], [sflag:$0x1] =	stream.indirect_vreg.gather [hbm4b:s1+s3], $0x80, v3, vm0, $0xb8;
	[tilespmem:$0x8080] =	vst v63  }
0x46: {  	v3 =	vld [tilespmem:$0x50];
	_ =	sdelay $0x4  }
0x47: {  	v61 =	vshll.u32 v3, $0x1  }
0x48: {  	v3 =	vand.u32 $0x7, v3;
	v4 =	vand.u32 $0xFFFFFFF0, v61  }
0x49: {  	v3 =	vor.u32 v3, v4  }
0x4a: {  	v4 =	vperm.xlane v3, v0;
	_ =	sdelay $0x1  }
0x4b: {  	v3 =	vperm.xlane v3, v2;
	v4 =	vadd.s32 v1, v4;
	_ =	sdelay $0x1  }
0x4c: {  	v3 =	vadd.s32 v1, v3;
	_ =	sdelay $0x2  }
0x4d: {  	[tilespmem:s18], [sflag:$0x1] =	stream.indirect_vreg.gather [hbm4b:s1+s3], $0x80, v4, vm0, $0xb8;
	[tilespmem:$0x8080] =	vst v63  }
0x4e: {  	_ = 	snop  }
0x4f: {  	[tilespmem:s19], [sflag:$0x1] =	stream.indirect_vreg.gather [hbm4b:s1+s3], $0x80, v3, vm0, $0xb8;
	[tilespmem:$0x8080] =	vst v63  }
0x50: {  	v3 =	vld [tilespmem:$0x60];
	_ =	sdelay $0x4  }
0x51: {  	v62 =	vshll.u32 v3, $0x1  }
0x52: {  	v3 =	vand.u32 $0x7, v3;
	v4 =	vand.u32 $0xFFFFFFF0, v62  }
0x53: {  	v3 =	vor.u32 v3, v4  }
0x54: {  	v4 =	vperm.xlane v3, v0;
	_ =	sdelay $0x1  }
0x55: {  	v3 =	vperm.xlane v3, v2;
	v4 =	vadd.s32 v1, v4;
	_ =	sdelay $0x1  }
0x56: {  	v3 =	vadd.s32 v1, v3;
	_ =	sdelay $0x2  }
0x57: {  	[tilespmem:s20], [sflag:$0x1] =	stream.indirect_vreg.gather [hbm4b:s1+s3], $0x80, v4, vm0, $0xb8;
	[tilespmem:$0x8080] =	vst v63  }
0x58: {  	_ = 	snop  }
0x59: {  	[tilespmem:s21], [sflag:$0x1] =	stream.indirect_vreg.gather [hbm4b:s1+s3], $0x80, v3, vm0, $0xb8;
	[tilespmem:$0x8080] =	vst v63  }
0x5a: {  	v3 =	vld [tilespmem:$0x70];
	_ =	sdelay $0x4  }
0x5b: {  	v63 =	vshll.u32 v3, $0x1  }
0x5c: {  	v3 =	vand.u32 $0x7, v3;
	v4 =	vand.u32 $0xFFFFFFF0, v63  }
0x5d: {  	v3 =	vor.u32 v3, v4  }
0x5e: {  	v4 =	vperm.xlane v3, v0;
	_ =	sdelay $0x1  }
0x5f: {  	v3 =	vperm.xlane v3, v2;
	v4 =	vadd.s32 v1, v4;
	_ =	sdelay $0x1  }
0x60: {  	v3 =	vadd.s32 v1, v3;
	_ =	sdelay $0x2  }
0x61: {  	[tilespmem:s22], [sflag:$0x1] =	stream.indirect_vreg.gather [hbm4b:s1+s3], $0x80, v4, vm0, $0xb8;
	[tilespmem:$0x8080] =	vst v63  }
0x62: {  	_ = 	snop  }
0x63: {  	[tilespmem:s23], [sflag:$0x1] =	stream.indirect_vreg.gather [hbm4b:s1+s3], $0x80, v3, vm0, $0xb8;
	[tilespmem:$0x8080] =	vst v63  }
0x64: {  	_ =	swait.ge [sflag:s24], $0x8000  }
0x65: {  	p0 =	sne.s32 s6, $0x1;
	[sflag:s24] =	ssyncset.done $0x0  }
.Ltmp0:
0x66: {  	[sflag:s24] =	ssyncadd.s32 $0xFFFF8000;
	(pc) =	sbr.rel @p0 .LBB2_1-.Ltmp0, $4  }
0x67: {  	[hbm4b:s5+s3] =	stream.linear.scatter [tilespmem:s8], [sflag:$0x2], $0x8000, $0x38;
	[tilespmem:$0x8080] =	vst v63  }
0x68: {  	_ =	swait.ge [sflag:s7], $0x8000  }
0x69: {  	[sflag:s7] =	ssyncset.done $0x0  }
0x6a: {  	s6 =	sadd.s32 $0xFFFFFFFF, s6;
	[sflag:s7] =	ssyncadd.s32 $0xFFFF8000  }
0x6b: {  	_ =	sfence.sel $0x180000  }
0x6c: {  	[bflag:$0x0] =	sbarrier.arrive $0xFFFF  }
0x6d: {  	p0 =	sne.s32 s2, $0x0;
	_ =	strace $0x90000047  }
0x6e: {  	s0 =	sadd.s32 @!p0 $0x100000, s0;
	[bflag:$0x2] =	sbarrier.arrive $0xFFFF  }
0x6f: {  	[sflag:s0] =	ssyncadd.tile.s32 @!p0 $0x1;
	_ =	shalt  }
.Lfunc_end2:
_tile_overlayer_lowered:
.L_overlay_start_2:
0x70: {  	(tag) =	ssettag $0x2  }
0x71: {  	s0 =	rddreg [dreg:$0x0];
	s2 =	stileid.u32  }
0x72: {  	s1 =	rddreg [dreg:$0x1];
	p0 =	sne.s32 s2, $0x0  }
0x73: {  	s3 =	rddreg [dreg:$0x2];
	[bflag:$0x3] =	sbarrier.arrive $0xFFFF;
	s2 =	simm.s32 @!p0 $0x1C02  }
0x74: {  	[timem:s3], [sflag:s2] =	dma.local @!p0 [hbm:s0], s1  }
0x75: {  	s0 =	simm.s32 @!p0 $0x2  }
0x76: {  	_ =	swait.ge @!p0 [sflag:s0], s1  }
0x77: {  	s1 =	ssub.s32 @!p0 $0x0, s1;
	[sflag:s0] =	ssyncset.done @!p0 $0x0  }
0x78: {  	[sflag:s0] =	ssyncadd.s32 @!p0 s1  }
0x79: {  	[bflag:$0x3] =	sbarrier.arrive $0xFFFF  }
0x7a: {  	_ =	shalt  }

</sc_bundles>
